<compile_context>
chip_gen: v7x
topology: tpu7x:2x2x1
jax: 0.10.2.dev20260603
libtpu: 0.0.44.dev20260713+nightly
codegen_flags: <defaults>
</compile_context>

<pallas_src>
import functools

import jax
import jax.numpy as jnp
from jax import lax
from jax.experimental import pallas as pl
from jax.experimental.pallas import tpu as pltpu
from jax.experimental.pallas import tpu_sc as plsc

CHUNK = 128
NBUF = 8
LA = 4


@functools.partial(jax.jit, static_argnames=("n_chunks", "d"))
def _sc_gather(table, idx3, *, n_chunks, d):
    nw = idx3.shape[0]
    b = nw * n_chunks * CHUNK
    mesh = plsc.VectorSubcoreMesh(core_axis_name="c", subcore_axis_name="s")

    @functools.partial(
        pl.kernel,
        mesh=mesh,
        compiler_params=pltpu.CompilerParams(use_tc_tiling_on_sc=False),
        out_type=jax.ShapeDtypeStruct((b, 128), jnp.float32),
        scratch_types=(
            [pltpu.VMEM((n_chunks, CHUNK), jnp.int32),
             pltpu.VMEM((NBUF, CHUNK, d), jnp.float32)]
            + [pltpu.SemaphoreType.DMA] * (2 * NBUF)
        ),
    )
    def k(table_hbm, idx_hbm, out_hbm, idx_v, rows_v, *sems):
        gsem = sems[:NBUF]
        ssem = sems[NBUF:]
        wid = lax.axis_index("s") * 2 + lax.axis_index("c")
        base = wid * (n_chunks * CHUNK)
        pltpu.sync_copy(idx_hbm.at[wid], idx_v)

        for jj in range(LA):
            pltpu.async_copy(table_hbm.at[idx_v.at[jj]], rows_v.at[jj], gsem[jj])

        def outer(g, _):
            j0 = g * NBUF
            for bb in range(NBUF):
                j = j0 + bb
                jl = j + LA
                bl = (bb + LA) % NBUF

                @pl.when(jl < n_chunks)
                def _():
                    @pl.when(jl >= NBUF)
                    def _():
                        pltpu.make_async_copy(
                            rows_v.at[bl],
                            out_hbm.at[pl.ds(base, CHUNK), pl.ds(0, d)],
                            ssem[bl],
                        ).wait()

                    pltpu.async_copy(
                        table_hbm.at[idx_v.at[jl]], rows_v.at[bl], gsem[bl]
                    )

                pltpu.make_async_copy(
                    table_hbm.at[idx_v.at[j]], rows_v.at[bb], gsem[bb]
                ).wait()
                pltpu.async_copy(
                    rows_v.at[bb],
                    out_hbm.at[pl.ds(base + j * CHUNK, CHUNK), pl.ds(0, d)],
                    ssem[bb],
                )
            return 0

        lax.fori_loop(0, n_chunks // NBUF, outer, 0)

        for bb in range(NBUF):
            pltpu.make_async_copy(
                rows_v.at[bb], out_hbm.at[pl.ds(base, CHUNK), pl.ds(0, d)], ssem[bb]
            ).wait()

    return k(table, idx3)


def kernel(token_ids, weight):
    bt, s = token_ids.shape
    v, d = weight.shape
    flat = token_ids.reshape(-1).astype(jnp.int32)
    b = flat.shape[0]
    nw = 32
    per_w = b // nw
    n_chunks = per_w // CHUNK
    idx3 = (flat * 2).reshape(nw, n_chunks, CHUNK)
    table = jnp.pad(weight, ((0, 0), (0, 128 - d))).reshape(2 * v, d)
    out = _sc_gather(table, idx3, n_chunks=n_chunks, d=d)
    return out[:, :d].reshape(bt, s, d)

# --- scband reference (transcript-rebuilt; emitter-appended) ---
"""Pipeline reference for scband-rjembedding-3521873183682 (READ-ONLY COPY).

The authoritative reference and input builder live on the scoring server;
editing this copy changes nothing except your own understanding.
"""

import jax, jax.numpy as jnp
import numpy as np

NUM_EMBEDDINGS = 1000000
EMBEDDING_DIM = 64

def setup_inputs(seed: int = 0) -> dict:
    key = jax.random.key(seed)
    k1, k2 = jax.random.split(key)
    token_ids = jax.random.randint(k1, (4096, 200), 0, NUM_EMBEDDINGS, dtype=jnp.int64 if jax.config.jax_enable_x64 else jnp.int32)
    # trunc_normal_(mean=0, std=1, a=-3, b=3) approximated via clipped normal
    weight = jnp.clip(jax.random.normal(k2, (NUM_EMBEDDINGS, EMBEDDING_DIM), dtype=jnp.float32), -3.0, 3.0)
    return {"token_ids": token_ids, "weight": weight}

def reference(token_ids, weight):
    # faithful translation of: return self.weight[token_ids]
    return jnp.take(weight, token_ids, axis=0)

if __name__ == "__main__":
    import jax
    _d = setup_inputs()
    print(jax.jit(kernel)(*tuple(_d.values())))

</pallas_src>

<mosaic_0001>
#map = affine_map<(d0, d1) -> (0, 0)>
#map1 = affine_map<(d0, d1) -> (0, 0, 0)>
module attributes {stable_mosaic.version = 14 : i64} {
  func.func @k(%arg0: i32, %arg1: i32, %arg2: memref<2000000x64xf32, #tpu.memory_space<hbm>>, %arg3: memref<32x200x128xi32, #tpu.memory_space<hbm>>, %arg4: memref<819200x128xf32, #tpu.memory_space<hbm>>, %arg5: memref<200x128xi32, #tpu.memory_space<vmem>>, %arg6: memref<8x128x64xf32, #tpu.memory_space<vmem>>, %arg7: memref<!tpu.dma_semaphore, #tpu.memory_space<semaphore_mem>>, %arg8: memref<!tpu.dma_semaphore, #tpu.memory_space<semaphore_mem>>, %arg9: memref<!tpu.dma_semaphore, #tpu.memory_space<semaphore_mem>>, %arg10: memref<!tpu.dma_semaphore, #tpu.memory_space<semaphore_mem>>, %arg11: memref<!tpu.dma_semaphore, #tpu.memory_space<semaphore_mem>>, %arg12: memref<!tpu.dma_semaphore, #tpu.memory_space<semaphore_mem>>, %arg13: memref<!tpu.dma_semaphore, #tpu.memory_space<semaphore_mem>>, %arg14: memref<!tpu.dma_semaphore, #tpu.memory_space<semaphore_mem>>, %arg15: memref<!tpu.dma_semaphore, #tpu.memory_space<semaphore_mem>>, %arg16: memref<!tpu.dma_semaphore, #tpu.memory_space<semaphore_mem>>, %arg17: memref<!tpu.dma_semaphore, #tpu.memory_space<semaphore_mem>>, %arg18: memref<!tpu.dma_semaphore, #tpu.memory_space<semaphore_mem>>, %arg19: memref<!tpu.dma_semaphore, #tpu.memory_space<semaphore_mem>>, %arg20: memref<!tpu.dma_semaphore, #tpu.memory_space<semaphore_mem>>, %arg21: memref<!tpu.dma_semaphore, #tpu.memory_space<semaphore_mem>>, %arg22: memref<!tpu.dma_semaphore, #tpu.memory_space<semaphore_mem>>) attributes {dimension_semantics = [#tpu.dimension_semantics<core_parallel>, #tpu.dimension_semantics<subcore_parallel>], iteration_bounds = array<i64: 2, 16>, scalar_prefetch = 0 : i64, scratch_operands = 18 : i64, tpu.core_type = #tpu.core_type<sc_vector_subcore>, window_params = [{transform_indices = #map}, {transform_indices = #map1}, {transform_indices = #map}]} {
    %mul3A = arith.constant 2 : i32
    %mul3A_0 = arith.muli %arg1, %mul3A : i32
    %add3A = arith.addi %mul3A_0, %arg0 : i32
    %mul3A_1 = arith.constant 25600 : i32
    %mul3A_2 = arith.muli %add3A, %mul3A_1 : i32
    "tpu.region"() ({
      %run_scoped3A = tpu.sem_alloc : memref<!tpu.dma_semaphore, #tpu.memory_space<semaphore_mem>>
      %dma_start3A_159 = arith.constant 0 : i32
      %dma_start3A_160 = arith.constant 0 : i32
      %dma_start3A_161 = tpu.memref_slice %arg3[%add3A, %dma_start3A_159, %dma_start3A_160] : memref<32x200x128xi32, #tpu.memory_space<hbm>> -> memref<1x200x128xi32, #tpu.memory_space<hbm>>
      %dma_start3A_162 = tpu.memref_squeeze %dma_start3A_161 : memref<1x200x128xi32, #tpu.memory_space<hbm>> -> memref<200x128xi32, #tpu.memory_space<hbm>>
      %dma_start3A_163 = arith.constant 0 : i32
      %dma_start3A_164 = arith.constant 0 : i32
      %dma_start3A_165 = tpu.memref_slice %arg3[%add3A, %dma_start3A_163, %dma_start3A_164] : memref<32x200x128xi32, #tpu.memory_space<hbm>> -> memref<1x200x128xi32, #tpu.memory_space<hbm>>
      %dma_start3A_166 = tpu.memref_squeeze %dma_start3A_165 : memref<1x200x128xi32, #tpu.memory_space<hbm>> -> memref<200x128xi32, #tpu.memory_space<hbm>>
      tpu.enqueue_dma source(%dma_start3A_166 : memref<200x128xi32, #tpu.memory_space<hbm>>) target(%arg5 : memref<200x128xi32, #tpu.memory_space<vmem>>) target_semaphore(%run_scoped3A : memref<!tpu.dma_semaphore, #tpu.memory_space<semaphore_mem>>)
      %dma_wait3A_167 = arith.constant 0 : i32
      %dma_wait3A_168 = arith.constant 0 : i32
      %dma_wait3A_169 = tpu.memref_slice %arg3[%add3A, %dma_wait3A_167, %dma_wait3A_168] : memref<32x200x128xi32, #tpu.memory_space<hbm>> -> memref<1x200x128xi32, #tpu.memory_space<hbm>>
      %dma_wait3A_170 = tpu.memref_squeeze %dma_wait3A_169 : memref<1x200x128xi32, #tpu.memory_space<hbm>> -> memref<200x128xi32, #tpu.memory_space<hbm>>
      %dma_wait3A_171 = arith.constant 0 : i32
      %dma_wait3A_172 = arith.constant 0 : i32
      %dma_wait3A_173 = tpu.memref_slice %arg3[%add3A, %dma_wait3A_171, %dma_wait3A_172] : memref<32x200x128xi32, #tpu.memory_space<hbm>> -> memref<1x200x128xi32, #tpu.memory_space<hbm>>
      %dma_wait3A_174 = tpu.memref_squeeze %dma_wait3A_173 : memref<1x200x128xi32, #tpu.memory_space<hbm>> -> memref<200x128xi32, #tpu.memory_space<hbm>>
      tpu.wait_dma2 semaphore(%run_scoped3A : memref<!tpu.dma_semaphore, #tpu.memory_space<semaphore_mem>>) src(%dma_wait3A_174 : memref<200x128xi32, #tpu.memory_space<hbm>>) dst(%arg5 : memref<200x128xi32, #tpu.memory_space<vmem>>)
      tpu.yield
    }) : () -> ()
    %dma_start3A = arith.constant 0 : i32
    %dma_start3A_3 = arith.constant 0 : i32
    %dma_start3A_4 = arith.constant 0 : i32
    %dma_start3A_5 = arith.constant 0 : i32
    %dma_start3A_6 = tpu.memref_slice %arg6[%dma_start3A_3, %dma_start3A_4, %dma_start3A_5] : memref<8x128x64xf32, #tpu.memory_space<vmem>> -> memref<1x128x64xf32, #tpu.memory_space<vmem>>
    %dma_start3A_7 = tpu.memref_squeeze %dma_start3A_6 : memref<1x128x64xf32, #tpu.memory_space<vmem>> -> memref<128x64xf32, #tpu.memory_space<vmem>>
    %dma_start3A_8 = arith.constant 0 : i32
    %dma_start3A_9 = tpu.memref_slice %arg5[%dma_start3A, %dma_start3A_8] : memref<200x128xi32, #tpu.memory_space<vmem>> -> memref<1x128xi32, #tpu.memory_space<vmem>>
    %dma_start3A_10 = tpu.memref_squeeze %dma_start3A_9 : memref<1x128xi32, #tpu.memory_space<vmem>> -> memref<128xi32, #tpu.memory_space<vmem>>
    %dma_start3A_11 = arith.constant 0 : i32
    %dma_start3A_12 = arith.constant 0 : i32
    %dma_start3A_13 = tpu.memref_slice %arg2[%dma_start3A_11, %dma_start3A_12] : memref<2000000x64xf32, #tpu.memory_space<hbm>> -> memref<2000000x64xf32, #tpu.memory_space<hbm>>
    tpu.enqueue_indirect_dma source(%dma_start3A_13 : memref<2000000x64xf32, #tpu.memory_space<hbm>>) target(%dma_start3A_7 : memref<128x64xf32, #tpu.memory_space<vmem>>) offsets(%dma_start3A_10 : memref<128xi32, #tpu.memory_space<vmem>>) semaphore(%arg7 : memref<!tpu.dma_semaphore, #tpu.memory_space<semaphore_mem>>)
    %dma_start3A_14 = arith.constant 1 : i32
    %dma_start3A_15 = arith.constant 1 : i32
    %dma_start3A_16 = arith.constant 0 : i32
    %dma_start3A_17 = arith.constant 0 : i32
    %dma_start3A_18 = tpu.memref_slice %arg6[%dma_start3A_15, %dma_start3A_16, %dma_start3A_17] : memref<8x128x64xf32, #tpu.memory_space<vmem>> -> memref<1x128x64xf32, #tpu.memory_space<vmem>>
    %dma_start3A_19 = tpu.memref_squeeze %dma_start3A_18 : memref<1x128x64xf32, #tpu.memory_space<vmem>> -> memref<128x64xf32, #tpu.memory_space<vmem>>
    %dma_start3A_20 = arith.constant 0 : i32
    %dma_start3A_21 = tpu.memref_slice %arg5[%dma_start3A_14, %dma_start3A_20] : memref<200x128xi32, #tpu.memory_space<vmem>> -> memref<1x128xi32, #tpu.memory_space<vmem>>
    %dma_start3A_22 = tpu.memref_squeeze %dma_start3A_21 : memref<1x128xi32, #tpu.memory_space<vmem>> -> memref<128xi32, #tpu.memory_space<vmem>>
    %dma_start3A_23 = arith.constant 0 : i32
    %dma_start3A_24 = arith.constant 0 : i32
    %dma_start3A_25 = tpu.memref_slice %arg2[%dma_start3A_23, %dma_start3A_24] : memref<2000000x64xf32, #tpu.memory_space<hbm>> -> memref<2000000x64xf32, #tpu.memory_space<hbm>>
    tpu.enqueue_indirect_dma source(%dma_start3A_25 : memref<2000000x64xf32, #tpu.memory_space<hbm>>) target(%dma_start3A_19 : memref<128x64xf32, #tpu.memory_space<vmem>>) offsets(%dma_start3A_22 : memref<128xi32, #tpu.memory_space<vmem>>) semaphore(%arg8 : memref<!tpu.dma_semaphore, #tpu.memory_space<semaphore_mem>>)
    %dma_start3A_26 = arith.constant 2 : i32
    %dma_start3A_27 = arith.constant 2 : i32
    %dma_start3A_28 = arith.constant 0 : i32
    %dma_start3A_29 = arith.constant 0 : i32
    %dma_start3A_30 = tpu.memref_slice %arg6[%dma_start3A_27, %dma_start3A_28, %dma_start3A_29] : memref<8x128x64xf32, #tpu.memory_space<vmem>> -> memref<1x128x64xf32, #tpu.memory_space<vmem>>
    %dma_start3A_31 = tpu.memref_squeeze %dma_start3A_30 : memref<1x128x64xf32, #tpu.memory_space<vmem>> -> memref<128x64xf32, #tpu.memory_space<vmem>>
    %dma_start3A_32 = arith.constant 0 : i32
    %dma_start3A_33 = tpu.memref_slice %arg5[%dma_start3A_26, %dma_start3A_32] : memref<200x128xi32, #tpu.memory_space<vmem>> -> memref<1x128xi32, #tpu.memory_space<vmem>>
    %dma_start3A_34 = tpu.memref_squeeze %dma_start3A_33 : memref<1x128xi32, #tpu.memory_space<vmem>> -> memref<128xi32, #tpu.memory_space<vmem>>
    %dma_start3A_35 = arith.constant 0 : i32
    %dma_start3A_36 = arith.constant 0 : i32
    %dma_start3A_37 = tpu.memref_slice %arg2[%dma_start3A_35, %dma_start3A_36] : memref<2000000x64xf32, #tpu.memory_space<hbm>> -> memref<2000000x64xf32, #tpu.memory_space<hbm>>
    tpu.enqueue_indirect_dma source(%dma_start3A_37 : memref<2000000x64xf32, #tpu.memory_space<hbm>>) target(%dma_start3A_31 : memref<128x64xf32, #tpu.memory_space<vmem>>) offsets(%dma_start3A_34 : memref<128xi32, #tpu.memory_space<vmem>>) semaphore(%arg9 : memref<!tpu.dma_semaphore, #tpu.memory_space<semaphore_mem>>)
    %dma_start3A_38 = arith.constant 3 : i32
    %dma_start3A_39 = arith.constant 3 : i32
    %dma_start3A_40 = arith.constant 0 : i32
    %dma_start3A_41 = arith.constant 0 : i32
    %dma_start3A_42 = tpu.memref_slice %arg6[%dma_start3A_39, %dma_start3A_40, %dma_start3A_41] : memref<8x128x64xf32, #tpu.memory_space<vmem>> -> memref<1x128x64xf32, #tpu.memory_space<vmem>>
    %dma_start3A_43 = tpu.memref_squeeze %dma_start3A_42 : memref<1x128x64xf32, #tpu.memory_space<vmem>> -> memref<128x64xf32, #tpu.memory_space<vmem>>
    %dma_start3A_44 = arith.constant 0 : i32
    %dma_start3A_45 = tpu.memref_slice %arg5[%dma_start3A_38, %dma_start3A_44] : memref<200x128xi32, #tpu.memory_space<vmem>> -> memref<1x128xi32, #tpu.memory_space<vmem>>
    %dma_start3A_46 = tpu.memref_squeeze %dma_start3A_45 : memref<1x128xi32, #tpu.memory_space<vmem>> -> memref<128xi32, #tpu.memory_space<vmem>>
    %dma_start3A_47 = arith.constant 0 : i32
    %dma_start3A_48 = arith.constant 0 : i32
    %dma_start3A_49 = tpu.memref_slice %arg2[%dma_start3A_47, %dma_start3A_48] : memref<2000000x64xf32, #tpu.memory_space<hbm>> -> memref<2000000x64xf32, #tpu.memory_space<hbm>>
    tpu.enqueue_indirect_dma source(%dma_start3A_49 : memref<2000000x64xf32, #tpu.memory_space<hbm>>) target(%dma_start3A_43 : memref<128x64xf32, #tpu.memory_space<vmem>>) offsets(%dma_start3A_46 : memref<128xi32, #tpu.memory_space<vmem>>) semaphore(%arg10 : memref<!tpu.dma_semaphore, #tpu.memory_space<semaphore_mem>>)
    %scan3A = arith.constant 0 : i32
    %scan3A_50 = arith.constant 0 : i32
    %scan3A_51 = arith.constant 25 : i32
    %scan3A_52 = arith.addi %scan3A_50, %scan3A_51 : i32
    %scan3A_53 = arith.constant 1 : i32
    %scan3A_54 = scf.for %scan3A_159 = %scan3A_50 to %scan3A_52 step %scan3A_53 iter_args(%scan3A_160 = %scan3A) -> (i32)  : i32 {
      %mul3A_161 = arith.constant 8 : i32
      %mul3A_162 = arith.muli %scan3A_159, %mul3A_161 : i32
      %add3A_163 = arith.constant 0 : i32
      %add3A_164 = arith.addi %mul3A_162, %add3A_163 : i32
      %add3A_165 = arith.constant 4 : i32
      %add3A_166 = arith.addi %add3A_164, %add3A_165 : i32
      %lt3A = arith.constant 200 : i32
      %lt3A_167 = arith.cmpi slt, %add3A_166, %lt3A : i32
      %convert_element_type3A = arith.extui %lt3A_167 : i1 to i32
      %cond3A = arith.constant 0 : i32
      %cond3A_168 = arith.cmpi ne, %convert_element_type3A, %cond3A : i32
      scf.if %cond3A_168 {
        %ge3A = arith.constant 8 : i32
        %ge3A_449 = arith.cmpi sge, %add3A_166, %ge3A : i32
        %convert_element_type3A_450 = arith.extui %ge3A_449 : i1 to i32
        %cond3A_451 = arith.constant 0 : i32
        %cond3A_452 = arith.cmpi ne, %convert_element_type3A_450, %cond3A_451 : i32
        scf.if %cond3A_452 {
          %dma_wait3A_464 = arith.constant 4 : i32
          %dma_wait3A_465 = arith.constant 0 : i32
          %dma_wait3A_466 = arith.constant 0 : i32
          %dma_wait3A_467 = tpu.memref_slice %arg6[%dma_wait3A_464, %dma_wait3A_465, %dma_wait3A_466] : memref<8x128x64xf32, #tpu.memory_space<vmem>> -> memref<1x128x64xf32, #tpu.memory_space<vmem>>
          %dma_wait3A_468 = tpu.memref_squeeze %dma_wait3A_467 : memref<1x128x64xf32, #tpu.memory_space<vmem>> -> memref<128x64xf32, #tpu.memory_space<vmem>>
          %dma_wait3A_469 = arith.constant 0 : i32
          %dma_wait3A_470 = tpu.memref_slice %arg4[%mul3A_2, %dma_wait3A_469] : memref<819200x128xf32, #tpu.memory_space<hbm>> -> memref<128x64xf32, #tpu.memory_space<hbm>>
          %dma_wait3A_471 = arith.constant 0 : i32
          %dma_wait3A_472 = tpu.memref_slice %arg4[%mul3A_2, %dma_wait3A_471] : memref<819200x128xf32, #tpu.memory_space<hbm>> -> memref<128x64xf32, #tpu.memory_space<hbm>>
          %dma_wait3A_473 = arith.constant 0 : i32
          %dma_wait3A_474 = arith.constant 0 : i32
          %dma_wait3A_475 = tpu.memref_slice %arg6[%dma_wait3A_464, %dma_wait3A_473, %dma_wait3A_474] : memref<8x128x64xf32, #tpu.memory_space<vmem>> -> memref<1x128x64xf32, #tpu.memory_space<vmem>>
          %dma_wait3A_476 = tpu.memref_squeeze %dma_wait3A_475 : memref<1x128x64xf32, #tpu.memory_space<vmem>> -> memref<128x64xf32, #tpu.memory_space<vmem>>
          tpu.wait_dma2 semaphore(%arg19 : memref<!tpu.dma_semaphore, #tpu.memory_space<semaphore_mem>>) src(%dma_wait3A_476 : memref<128x64xf32, #tpu.memory_space<vmem>>) dst(%dma_wait3A_472 : memref<128x64xf32, #tpu.memory_space<hbm>>)
        } else {
        }
        %dma_start3A_453 = arith.constant 4 : i32
        %dma_start3A_454 = arith.constant 0 : i32
        %dma_start3A_455 = arith.constant 0 : i32
        %dma_start3A_456 = tpu.memref_slice %arg6[%dma_start3A_453, %dma_start3A_454, %dma_start3A_455] : memref<8x128x64xf32, #tpu.memory_space<vmem>> -> memref<1x128x64xf32, #tpu.memory_space<vmem>>
        %dma_start3A_457 = tpu.memref_squeeze %dma_start3A_456 : memref<1x128x64xf32, #tpu.memory_space<vmem>> -> memref<128x64xf32, #tpu.memory_space<vmem>>
        %dma_start3A_458 = arith.constant 0 : i32
        %dma_start3A_459 = tpu.memref_slice %arg5[%add3A_166, %dma_start3A_458] : memref<200x128xi32, #tpu.memory_space<vmem>> -> memref<1x128xi32, #tpu.memory_space<vmem>>
        %dma_start3A_460 = tpu.memref_squeeze %dma_start3A_459 : memref<1x128xi32, #tpu.memory_space<vmem>> -> memref<128xi32, #tpu.memory_space<vmem>>
        %dma_start3A_461 = arith.constant 0 : i32
        %dma_start3A_462 = arith.constant 0 : i32
        %dma_start3A_463 = tpu.memref_slice %arg2[%dma_start3A_461, %dma_start3A_462] : memref<2000000x64xf32, #tpu.memory_space<hbm>> -> memref<2000000x64xf32, #tpu.memory_space<hbm>>
        tpu.enqueue_indirect_dma source(%dma_start3A_463 : memref<2000000x64xf32, #tpu.memory_space<hbm>>) target(%dma_start3A_457 : memref<128x64xf32, #tpu.memory_space<vmem>>) offsets(%dma_start3A_460 : memref<128xi32, #tpu.memory_space<vmem>>) semaphore(%arg11 : memref<!tpu.dma_semaphore, #tpu.memory_space<semaphore_mem>>)
      } else {
      }
      %dma_wait3A_169 = arith.constant 0 : i32
      %dma_wait3A_170 = arith.constant 0 : i32
      %dma_wait3A_171 = arith.constant 0 : i32
      %dma_wait3A_172 = tpu.memref_slice %arg6[%dma_wait3A_169, %dma_wait3A_170, %dma_wait3A_171] : memref<8x128x64xf32, #tpu.memory_space<vmem>> -> memref<1x128x64xf32, #tpu.memory_space<vmem>>
      %dma_wait3A_173 = tpu.memref_squeeze %dma_wait3A_172 : memref<1x128x64xf32, #tpu.memory_space<vmem>> -> memref<128x64xf32, #tpu.memory_space<vmem>>
      %dma_wait3A_174 = arith.constant 0 : i32
      %dma_wait3A_175 = tpu.memref_slice %arg5[%add3A_164, %dma_wait3A_174] : memref<200x128xi32, #tpu.memory_space<vmem>> -> memref<1x128xi32, #tpu.memory_space<vmem>>
      %dma_wait3A_176 = tpu.memref_squeeze %dma_wait3A_175 : memref<1x128xi32, #tpu.memory_space<vmem>> -> memref<128xi32, #tpu.memory_space<vmem>>
      %dma_wait3A_177 = arith.constant 0 : i32
      %dma_wait3A_178 = arith.constant 0 : i32
      %dma_wait3A_179 = tpu.memref_slice %arg2[%dma_wait3A_177, %dma_wait3A_178] : memref<2000000x64xf32, #tpu.memory_space<hbm>> -> memref<2000000x64xf32, #tpu.memory_space<hbm>>
      tpu.wait_indirect_dma semaphore(%arg7 : memref<!tpu.dma_semaphore, #tpu.memory_space<semaphore_mem>>) src(%dma_wait3A_179 : memref<2000000x64xf32, #tpu.memory_space<hbm>>) dst(%dma_wait3A_173 : memref<128x64xf32, #tpu.memory_space<vmem>>)
      %mul3A_180 = arith.constant 128 : i32
      %mul3A_181 = arith.muli %add3A_164, %mul3A_180 : i32
      %add3A_182 = arith.addi %mul3A_2, %mul3A_181 : i32
      %dma_start3A_183 = arith.constant 0 : i32
      %dma_start3A_184 = arith.constant 0 : i32
      %dma_start3A_185 = arith.constant 0 : i32
      %dma_start3A_186 = tpu.memref_slice %arg6[%dma_start3A_183, %dma_start3A_184, %dma_start3A_185] : memref<8x128x64xf32, #tpu.memory_space<vmem>> -> memref<1x128x64xf32, #tpu.memory_space<vmem>>
      %dma_start3A_187 = tpu.memref_squeeze %dma_start3A_186 : memref<1x128x64xf32, #tpu.memory_space<vmem>> -> memref<128x64xf32, #tpu.memory_space<vmem>>
      %dma_start3A_188 = arith.constant 0 : i32
      %dma_start3A_189 = tpu.memref_slice %arg4[%add3A_182, %dma_start3A_188] : memref<819200x128xf32, #tpu.memory_space<hbm>> -> memref<128x64xf32, #tpu.memory_space<hbm>>
      %dma_start3A_190 = arith.constant 0 : i32
      %dma_start3A_191 = tpu.memref_slice %arg4[%add3A_182, %dma_start3A_190] : memref<819200x128xf32, #tpu.memory_space<hbm>> -> memref<128x64xf32, #tpu.memory_space<hbm>>
      %dma_start3A_192 = arith.constant 0 : i32
      %dma_start3A_193 = arith.constant 0 : i32
      %dma_start3A_194 = tpu.memref_slice %arg6[%dma_start3A_183, %dma_start3A_192, %dma_start3A_193] : memref<8x128x64xf32, #tpu.memory_space<vmem>> -> memref<1x128x64xf32, #tpu.memory_space<vmem>>
      %dma_start3A_195 = tpu.memref_squeeze %dma_start3A_194 : memref<1x128x64xf32, #tpu.memory_space<vmem>> -> memref<128x64xf32, #tpu.memory_space<vmem>>
      tpu.enqueue_dma source(%dma_start3A_195 : memref<128x64xf32, #tpu.memory_space<vmem>>) target(%dma_start3A_191 : memref<128x64xf32, #tpu.memory_space<hbm>>) target_semaphore(%arg15 : memref<!tpu.dma_semaphore, #tpu.memory_space<semaphore_mem>>)
      %add3A_196 = arith.constant 1 : i32
      %add3A_197 = arith.addi %mul3A_162, %add3A_196 : i32
      %add3A_198 = arith.constant 4 : i32
      %add3A_199 = arith.addi %add3A_197, %add3A_198 : i32
      %lt3A_200 = arith.constant 200 : i32
      %lt3A_201 = arith.cmpi slt, %add3A_199, %lt3A_200 : i32
      %convert_element_type3A_202 = arith.extui %lt3A_201 : i1 to i32
      %cond3A_203 = arith.constant 0 : i32
      %cond3A_204 = arith.cmpi ne, %convert_element_type3A_202, %cond3A_203 : i32
      scf.if %cond3A_204 {
        %ge3A = arith.constant 8 : i32
        %ge3A_449 = arith.cmpi sge, %add3A_199, %ge3A : i32
        %convert_element_type3A_450 = arith.extui %ge3A_449 : i1 to i32
        %cond3A_451 = arith.constant 0 : i32
        %cond3A_452 = arith.cmpi ne, %convert_element_type3A_450, %cond3A_451 : i32
        scf.if %cond3A_452 {
          %dma_wait3A_464 = arith.constant 5 : i32
          %dma_wait3A_465 = arith.constant 0 : i32
          %dma_wait3A_466 = arith.constant 0 : i32
          %dma_wait3A_467 = tpu.memref_slice %arg6[%dma_wait3A_464, %dma_wait3A_465, %dma_wait3A_466] : memref<8x128x64xf32, #tpu.memory_space<vmem>> -> memref<1x128x64xf32, #tpu.memory_space<vmem>>
          %dma_wait3A_468 = tpu.memref_squeeze %dma_wait3A_467 : memref<1x128x64xf32, #tpu.memory_space<vmem>> -> memref<128x64xf32, #tpu.memory_space<vmem>>
          %dma_wait3A_469 = arith.constant 0 : i32
          %dma_wait3A_470 = tpu.memref_slice %arg4[%mul3A_2, %dma_wait3A_469] : memref<819200x128xf32, #tpu.memory_space<hbm>> -> memref<128x64xf32, #tpu.memory_space<hbm>>
          %dma_wait3A_471 = arith.constant 0 : i32
          %dma_wait3A_472 = tpu.memref_slice %arg4[%mul3A_2, %dma_wait3A_471] : memref<819200x128xf32, #tpu.memory_space<hbm>> -> memref<128x64xf32, #tpu.memory_space<hbm>>
          %dma_wait3A_473 = arith.constant 0 : i32
          %dma_wait3A_474 = arith.constant 0 : i32
          %dma_wait3A_475 = tpu.memref_slice %arg6[%dma_wait3A_464, %dma_wait3A_473, %dma_wait3A_474] : memref<8x128x64xf32, #tpu.memory_space<vmem>> -> memref<1x128x64xf32, #tpu.memory_space<vmem>>
          %dma_wait3A_476 = tpu.memref_squeeze %dma_wait3A_475 : memref<1x128x64xf32, #tpu.memory_space<vmem>> -> memref<128x64xf32, #tpu.memory_space<vmem>>
          tpu.wait_dma2 semaphore(%arg20 : memref<!tpu.dma_semaphore, #tpu.memory_space<semaphore_mem>>) src(%dma_wait3A_476 : memref<128x64xf32, #tpu.memory_space<vmem>>) dst(%dma_wait3A_472 : memref<128x64xf32, #tpu.memory_space<hbm>>)
        } else {
        }
        %dma_start3A_453 = arith.constant 5 : i32
        %dma_start3A_454 = arith.constant 0 : i32
        %dma_start3A_455 = arith.constant 0 : i32
        %dma_start3A_456 = tpu.memref_slice %arg6[%dma_start3A_453, %dma_start3A_454, %dma_start3A_455] : memref<8x128x64xf32, #tpu.memory_space<vmem>> -> memref<1x128x64xf32, #tpu.memory_space<vmem>>
        %dma_start3A_457 = tpu.memref_squeeze %dma_start3A_456 : memref<1x128x64xf32, #tpu.memory_space<vmem>> -> memref<128x64xf32, #tpu.memory_space<vmem>>
        %dma_start3A_458 = arith.constant 0 : i32
        %dma_start3A_459 = tpu.memref_slice %arg5[%add3A_199, %dma_start3A_458] : memref<200x128xi32, #tpu.memory_space<vmem>> -> memref<1x128xi32, #tpu.memory_space<vmem>>
        %dma_start3A_460 = tpu.memref_squeeze %dma_start3A_459 : memref<1x128xi32, #tpu.memory_space<vmem>> -> memref<128xi32, #tpu.memory_space<vmem>>
        %dma_start3A_461 = arith.constant 0 : i32
        %dma_start3A_462 = arith.constant 0 : i32
        %dma_start3A_463 = tpu.memref_slice %arg2[%dma_start3A_461, %dma_start3A_462] : memref<2000000x64xf32, #tpu.memory_space<hbm>> -> memref<2000000x64xf32, #tpu.memory_space<hbm>>
        tpu.enqueue_indirect_dma source(%dma_start3A_463 : memref<2000000x64xf32, #tpu.memory_space<hbm>>) target(%dma_start3A_457 : memref<128x64xf32, #tpu.memory_space<vmem>>) offsets(%dma_start3A_460 : memref<128xi32, #tpu.memory_space<vmem>>) semaphore(%arg12 : memref<!tpu.dma_semaphore, #tpu.memory_space<semaphore_mem>>)
      } else {
      }
      %dma_wait3A_205 = arith.constant 1 : i32
      %dma_wait3A_206 = arith.constant 0 : i32
      %dma_wait3A_207 = arith.constant 0 : i32
      %dma_wait3A_208 = tpu.memref_slice %arg6[%dma_wait3A_205, %dma_wait3A_206, %dma_wait3A_207] : memref<8x128x64xf32, #tpu.memory_space<vmem>> -> memref<1x128x64xf32, #tpu.memory_space<vmem>>
      %dma_wait3A_209 = tpu.memref_squeeze %dma_wait3A_208 : memref<1x128x64xf32, #tpu.memory_space<vmem>> -> memref<128x64xf32, #tpu.memory_space<vmem>>
      %dma_wait3A_210 = arith.constant 0 : i32
      %dma_wait3A_211 = tpu.memref_slice %arg5[%add3A_197, %dma_wait3A_210] : memref<200x128xi32, #tpu.memory_space<vmem>> -> memref<1x128xi32, #tpu.memory_space<vmem>>
      %dma_wait3A_212 = tpu.memref_squeeze %dma_wait3A_211 : memref<1x128xi32, #tpu.memory_space<vmem>> -> memref<128xi32, #tpu.memory_space<vmem>>
      %dma_wait3A_213 = arith.constant 0 : i32
      %dma_wait3A_214 = arith.constant 0 : i32
      %dma_wait3A_215 = tpu.memref_slice %arg2[%dma_wait3A_213, %dma_wait3A_214] : memref<2000000x64xf32, #tpu.memory_space<hbm>> -> memref<2000000x64xf32, #tpu.memory_space<hbm>>
      tpu.wait_indirect_dma semaphore(%arg8 : memref<!tpu.dma_semaphore, #tpu.memory_space<semaphore_mem>>) src(%dma_wait3A_215 : memref<2000000x64xf32, #tpu.memory_space<hbm>>) dst(%dma_wait3A_209 : memref<128x64xf32, #tpu.memory_space<vmem>>)
      %mul3A_216 = arith.constant 128 : i32
      %mul3A_217 = arith.muli %add3A_197, %mul3A_216 : i32
      %add3A_218 = arith.addi %mul3A_2, %mul3A_217 : i32
      %dma_start3A_219 = arith.constant 1 : i32
      %dma_start3A_220 = arith.constant 0 : i32
      %dma_start3A_221 = arith.constant 0 : i32
      %dma_start3A_222 = tpu.memref_slice %arg6[%dma_start3A_219, %dma_start3A_220, %dma_start3A_221] : memref<8x128x64xf32, #tpu.memory_space<vmem>> -> memref<1x128x64xf32, #tpu.memory_space<vmem>>
      %dma_start3A_223 = tpu.memref_squeeze %dma_start3A_222 : memref<1x128x64xf32, #tpu.memory_space<vmem>> -> memref<128x64xf32, #tpu.memory_space<vmem>>
      %dma_start3A_224 = arith.constant 0 : i32
      %dma_start3A_225 = tpu.memref_slice %arg4[%add3A_218, %dma_start3A_224] : memref<819200x128xf32, #tpu.memory_space<hbm>> -> memref<128x64xf32, #tpu.memory_space<hbm>>
      %dma_start3A_226 = arith.constant 0 : i32
      %dma_start3A_227 = tpu.memref_slice %arg4[%add3A_218, %dma_start3A_226] : memref<819200x128xf32, #tpu.memory_space<hbm>> -> memref<128x64xf32, #tpu.memory_space<hbm>>
      %dma_start3A_228 = arith.constant 0 : i32
      %dma_start3A_229 = arith.constant 0 : i32
      %dma_start3A_230 = tpu.memref_slice %arg6[%dma_start3A_219, %dma_start3A_228, %dma_start3A_229] : memref<8x128x64xf32, #tpu.memory_space<vmem>> -> memref<1x128x64xf32, #tpu.memory_space<vmem>>
      %dma_start3A_231 = tpu.memref_squeeze %dma_start3A_230 : memref<1x128x64xf32, #tpu.memory_space<vmem>> -> memref<128x64xf32, #tpu.memory_space<vmem>>
      tpu.enqueue_dma source(%dma_start3A_231 : memref<128x64xf32, #tpu.memory_space<vmem>>) target(%dma_start3A_227 : memref<128x64xf32, #tpu.memory_space<hbm>>) target_semaphore(%arg16 : memref<!tpu.dma_semaphore, #tpu.memory_space<semaphore_mem>>)
      %add3A_232 = arith.constant 2 : i32
      %add3A_233 = arith.addi %mul3A_162, %add3A_232 : i32
      %add3A_234 = arith.constant 4 : i32
      %add3A_235 = arith.addi %add3A_233, %add3A_234 : i32
      %lt3A_236 = arith.constant 200 : i32
      %lt3A_237 = arith.cmpi slt, %add3A_235, %lt3A_236 : i32
      %convert_element_type3A_238 = arith.extui %lt3A_237 : i1 to i32
      %cond3A_239 = arith.constant 0 : i32
      %cond3A_240 = arith.cmpi ne, %convert_element_type3A_238, %cond3A_239 : i32
      scf.if %cond3A_240 {
        %ge3A = arith.constant 8 : i32
        %ge3A_449 = arith.cmpi sge, %add3A_235, %ge3A : i32
        %convert_element_type3A_450 = arith.extui %ge3A_449 : i1 to i32
        %cond3A_451 = arith.constant 0 : i32
        %cond3A_452 = arith.cmpi ne, %convert_element_type3A_450, %cond3A_451 : i32
        scf.if %cond3A_452 {
          %dma_wait3A_464 = arith.constant 6 : i32
          %dma_wait3A_465 = arith.constant 0 : i32
          %dma_wait3A_466 = arith.constant 0 : i32
          %dma_wait3A_467 = tpu.memref_slice %arg6[%dma_wait3A_464, %dma_wait3A_465, %dma_wait3A_466] : memref<8x128x64xf32, #tpu.memory_space<vmem>> -> memref<1x128x64xf32, #tpu.memory_space<vmem>>
          %dma_wait3A_468 = tpu.memref_squeeze %dma_wait3A_467 : memref<1x128x64xf32, #tpu.memory_space<vmem>> -> memref<128x64xf32, #tpu.memory_space<vmem>>
          %dma_wait3A_469 = arith.constant 0 : i32
          %dma_wait3A_470 = tpu.memref_slice %arg4[%mul3A_2, %dma_wait3A_469] : memref<819200x128xf32, #tpu.memory_space<hbm>> -> memref<128x64xf32, #tpu.memory_space<hbm>>
          %dma_wait3A_471 = arith.constant 0 : i32
          %dma_wait3A_472 = tpu.memref_slice %arg4[%mul3A_2, %dma_wait3A_471] : memref<819200x128xf32, #tpu.memory_space<hbm>> -> memref<128x64xf32, #tpu.memory_space<hbm>>
          %dma_wait3A_473 = arith.constant 0 : i32
          %dma_wait3A_474 = arith.constant 0 : i32
          %dma_wait3A_475 = tpu.memref_slice %arg6[%dma_wait3A_464, %dma_wait3A_473, %dma_wait3A_474] : memref<8x128x64xf32, #tpu.memory_space<vmem>> -> memref<1x128x64xf32, #tpu.memory_space<vmem>>
          %dma_wait3A_476 = tpu.memref_squeeze %dma_wait3A_475 : memref<1x128x64xf32, #tpu.memory_space<vmem>> -> memref<128x64xf32, #tpu.memory_space<vmem>>
          tpu.wait_dma2 semaphore(%arg21 : memref<!tpu.dma_semaphore, #tpu.memory_space<semaphore_mem>>) src(%dma_wait3A_476 : memref<128x64xf32, #tpu.memory_space<vmem>>) dst(%dma_wait3A_472 : memref<128x64xf32, #tpu.memory_space<hbm>>)
        } else {
        }
        %dma_start3A_453 = arith.constant 6 : i32
        %dma_start3A_454 = arith.constant 0 : i32
        %dma_start3A_455 = arith.constant 0 : i32
        %dma_start3A_456 = tpu.memref_slice %arg6[%dma_start3A_453, %dma_start3A_454, %dma_start3A_455] : memref<8x128x64xf32, #tpu.memory_space<vmem>> -> memref<1x128x64xf32, #tpu.memory_space<vmem>>
        %dma_start3A_457 = tpu.memref_squeeze %dma_start3A_456 : memref<1x128x64xf32, #tpu.memory_space<vmem>> -> memref<128x64xf32, #tpu.memory_space<vmem>>
        %dma_start3A_458 = arith.constant 0 : i32
        %dma_start3A_459 = tpu.memref_slice %arg5[%add3A_235, %dma_start3A_458] : memref<200x128xi32, #tpu.memory_space<vmem>> -> memref<1x128xi32, #tpu.memory_space<vmem>>
        %dma_start3A_460 = tpu.memref_squeeze %dma_start3A_459 : memref<1x128xi32, #tpu.memory_space<vmem>> -> memref<128xi32, #tpu.memory_space<vmem>>
        %dma_start3A_461 = arith.constant 0 : i32
        %dma_start3A_462 = arith.constant 0 : i32
        %dma_start3A_463 = tpu.memref_slice %arg2[%dma_start3A_461, %dma_start3A_462] : memref<2000000x64xf32, #tpu.memory_space<hbm>> -> memref<2000000x64xf32, #tpu.memory_space<hbm>>
        tpu.enqueue_indirect_dma source(%dma_start3A_463 : memref<2000000x64xf32, #tpu.memory_space<hbm>>) target(%dma_start3A_457 : memref<128x64xf32, #tpu.memory_space<vmem>>) offsets(%dma_start3A_460 : memref<128xi32, #tpu.memory_space<vmem>>) semaphore(%arg13 : memref<!tpu.dma_semaphore, #tpu.memory_space<semaphore_mem>>)
      } else {
      }
      %dma_wait3A_241 = arith.constant 2 : i32
      %dma_wait3A_242 = arith.constant 0 : i32
      %dma_wait3A_243 = arith.constant 0 : i32
      %dma_wait3A_244 = tpu.memref_slice %arg6[%dma_wait3A_241, %dma_wait3A_242, %dma_wait3A_243] : memref<8x128x64xf32, #tpu.memory_space<vmem>> -> memref<1x128x64xf32, #tpu.memory_space<vmem>>
      %dma_wait3A_245 = tpu.memref_squeeze %dma_wait3A_244 : memref<1x128x64xf32, #tpu.memory_space<vmem>> -> memref<128x64xf32, #tpu.memory_space<vmem>>
      %dma_wait3A_246 = arith.constant 0 : i32
      %dma_wait3A_247 = tpu.memref_slice %arg5[%add3A_233, %dma_wait3A_246] : memref<200x128xi32, #tpu.memory_space<vmem>> -> memref<1x128xi32, #tpu.memory_space<vmem>>
      %dma_wait3A_248 = tpu.memref_squeeze %dma_wait3A_247 : memref<1x128xi32, #tpu.memory_space<vmem>> -> memref<128xi32, #tpu.memory_space<vmem>>
      %dma_wait3A_249 = arith.constant 0 : i32
      %dma_wait3A_250 = arith.constant 0 : i32
      %dma_wait3A_251 = tpu.memref_slice %arg2[%dma_wait3A_249, %dma_wait3A_250] : memref<2000000x64xf32, #tpu.memory_space<hbm>> -> memref<2000000x64xf32, #tpu.memory_space<hbm>>
      tpu.wait_indirect_dma semaphore(%arg9 : memref<!tpu.dma_semaphore, #tpu.memory_space<semaphore_mem>>) src(%dma_wait3A_251 : memref<2000000x64xf32, #tpu.memory_space<hbm>>) dst(%dma_wait3A_245 : memref<128x64xf32, #tpu.memory_space<vmem>>)
      %mul3A_252 = arith.constant 128 : i32
      %mul3A_253 = arith.muli %add3A_233, %mul3A_252 : i32
      %add3A_254 = arith.addi %mul3A_2, %mul3A_253 : i32
      %dma_start3A_255 = arith.constant 2 : i32
      %dma_start3A_256 = arith.constant 0 : i32
      %dma_start3A_257 = arith.constant 0 : i32
      %dma_start3A_258 = tpu.memref_slice %arg6[%dma_start3A_255, %dma_start3A_256, %dma_start3A_257] : memref<8x128x64xf32, #tpu.memory_space<vmem>> -> memref<1x128x64xf32, #tpu.memory_space<vmem>>
      %dma_start3A_259 = tpu.memref_squeeze %dma_start3A_258 : memref<1x128x64xf32, #tpu.memory_space<vmem>> -> memref<128x64xf32, #tpu.memory_space<vmem>>
      %dma_start3A_260 = arith.constant 0 : i32
      %dma_start3A_261 = tpu.memref_slice %arg4[%add3A_254, %dma_start3A_260] : memref<819200x128xf32, #tpu.memory_space<hbm>> -> memref<128x64xf32, #tpu.memory_space<hbm>>
      %dma_start3A_262 = arith.constant 0 : i32
      %dma_start3A_263 = tpu.memref_slice %arg4[%add3A_254, %dma_start3A_262] : memref<819200x128xf32, #tpu.memory_space<hbm>> -> memref<128x64xf32, #tpu.memory_space<hbm>>
      %dma_start3A_264 = arith.constant 0 : i32
      %dma_start3A_265 = arith.constant 0 : i32
      %dma_start3A_266 = tpu.memref_slice %arg6[%dma_start3A_255, %dma_start3A_264, %dma_start3A_265] : memref<8x128x64xf32, #tpu.memory_space<vmem>> -> memref<1x128x64xf32, #tpu.memory_space<vmem>>
      %dma_start3A_267 = tpu.memref_squeeze %dma_start3A_266 : memref<1x128x64xf32, #tpu.memory_space<vmem>> -> memref<128x64xf32, #tpu.memory_space<vmem>>
      tpu.enqueue_dma source(%dma_start3A_267 : memref<128x64xf32, #tpu.memory_space<vmem>>) target(%dma_start3A_263 : memref<128x64xf32, #tpu.memory_space<hbm>>) target_semaphore(%arg17 : memref<!tpu.dma_semaphore, #tpu.memory_space<semaphore_mem>>)
      %add3A_268 = arith.constant 3 : i32
      %add3A_269 = arith.addi %mul3A_162, %add3A_268 : i32
      %add3A_270 = arith.constant 4 : i32
      %add3A_271 = arith.addi %add3A_269, %add3A_270 : i32
      %lt3A_272 = arith.constant 200 : i32
      %lt3A_273 = arith.cmpi slt, %add3A_271, %lt3A_272 : i32
      %convert_element_type3A_274 = arith.extui %lt3A_273 : i1 to i32
      %cond3A_275 = arith.constant 0 : i32
      %cond3A_276 = arith.cmpi ne, %convert_element_type3A_274, %cond3A_275 : i32
      scf.if %cond3A_276 {
        %ge3A = arith.constant 8 : i32
        %ge3A_449 = arith.cmpi sge, %add3A_271, %ge3A : i32
        %convert_element_type3A_450 = arith.extui %ge3A_449 : i1 to i32
        %cond3A_451 = arith.constant 0 : i32
        %cond3A_452 = arith.cmpi ne, %convert_element_type3A_450, %cond3A_451 : i32
        scf.if %cond3A_452 {
          %dma_wait3A_464 = arith.constant 7 : i32
          %dma_wait3A_465 = arith.constant 0 : i32
          %dma_wait3A_466 = arith.constant 0 : i32
          %dma_wait3A_467 = tpu.memref_slice %arg6[%dma_wait3A_464, %dma_wait3A_465, %dma_wait3A_466] : memref<8x128x64xf32, #tpu.memory_space<vmem>> -> memref<1x128x64xf32, #tpu.memory_space<vmem>>
          %dma_wait3A_468 = tpu.memref_squeeze %dma_wait3A_467 : memref<1x128x64xf32, #tpu.memory_space<vmem>> -> memref<128x64xf32, #tpu.memory_space<vmem>>
          %dma_wait3A_469 = arith.constant 0 : i32
          %dma_wait3A_470 = tpu.memref_slice %arg4[%mul3A_2, %dma_wait3A_469] : memref<819200x128xf32, #tpu.memory_space<hbm>> -> memref<128x64xf32, #tpu.memory_space<hbm>>
          %dma_wait3A_471 = arith.constant 0 : i32
          %dma_wait3A_472 = tpu.memref_slice %arg4[%mul3A_2, %dma_wait3A_471] : memref<819200x128xf32, #tpu.memory_space<hbm>> -> memref<128x64xf32, #tpu.memory_space<hbm>>
          %dma_wait3A_473 = arith.constant 0 : i32
          %dma_wait3A_474 = arith.constant 0 : i32
          %dma_wait3A_475 = tpu.memref_slice %arg6[%dma_wait3A_464, %dma_wait3A_473, %dma_wait3A_474] : memref<8x128x64xf32, #tpu.memory_space<vmem>> -> memref<1x128x64xf32, #tpu.memory_space<vmem>>
          %dma_wait3A_476 = tpu.memref_squeeze %dma_wait3A_475 : memref<1x128x64xf32, #tpu.memory_space<vmem>> -> memref<128x64xf32, #tpu.memory_space<vmem>>
          tpu.wait_dma2 semaphore(%arg22 : memref<!tpu.dma_semaphore, #tpu.memory_space<semaphore_mem>>) src(%dma_wait3A_476 : memref<128x64xf32, #tpu.memory_space<vmem>>) dst(%dma_wait3A_472 : memref<128x64xf32, #tpu.memory_space<hbm>>)
        } else {
        }
        %dma_start3A_453 = arith.constant 7 : i32
        %dma_start3A_454 = arith.constant 0 : i32
        %dma_start3A_455 = arith.constant 0 : i32
        %dma_start3A_456 = tpu.memref_slice %arg6[%dma_start3A_453, %dma_start3A_454, %dma_start3A_455] : memref<8x128x64xf32, #tpu.memory_space<vmem>> -> memref<1x128x64xf32, #tpu.memory_space<vmem>>
        %dma_start3A_457 = tpu.memref_squeeze %dma_start3A_456 : memref<1x128x64xf32, #tpu.memory_space<vmem>> -> memref<128x64xf32, #tpu.memory_space<vmem>>
        %dma_start3A_458 = arith.constant 0 : i32
        %dma_start3A_459 = tpu.memref_slice %arg5[%add3A_271, %dma_start3A_458] : memref<200x128xi32, #tpu.memory_space<vmem>> -> memref<1x128xi32, #tpu.memory_space<vmem>>
        %dma_start3A_460 = tpu.memref_squeeze %dma_start3A_459 : memref<1x128xi32, #tpu.memory_space<vmem>> -> memref<128xi32, #tpu.memory_space<vmem>>
        %dma_start3A_461 = arith.constant 0 : i32
        %dma_start3A_462 = arith.constant 0 : i32
        %dma_start3A_463 = tpu.memref_slice %arg2[%dma_start3A_461, %dma_start3A_462] : memref<2000000x64xf32, #tpu.memory_space<hbm>> -> memref<2000000x64xf32, #tpu.memory_space<hbm>>
        tpu.enqueue_indirect_dma source(%dma_start3A_463 : memref<2000000x64xf32, #tpu.memory_space<hbm>>) target(%dma_start3A_457 : memref<128x64xf32, #tpu.memory_space<vmem>>) offsets(%dma_start3A_460 : memref<128xi32, #tpu.memory_space<vmem>>) semaphore(%arg14 : memref<!tpu.dma_semaphore, #tpu.memory_space<semaphore_mem>>)
      } else {
      }
      %dma_wait3A_277 = arith.constant 3 : i32
      %dma_wait3A_278 = arith.constant 0 : i32
      %dma_wait3A_279 = arith.constant 0 : i32
      %dma_wait3A_280 = tpu.memref_slice %arg6[%dma_wait3A_277, %dma_wait3A_278, %dma_wait3A_279] : memref<8x128x64xf32, #tpu.memory_space<vmem>> -> memref<1x128x64xf32, #tpu.memory_space<vmem>>
      %dma_wait3A_281 = tpu.memref_squeeze %dma_wait3A_280 : memref<1x128x64xf32, #tpu.memory_space<vmem>> -> memref<128x64xf32, #tpu.memory_space<vmem>>
      %dma_wait3A_282 = arith.constant 0 : i32
      %dma_wait3A_283 = tpu.memref_slice %arg5[%add3A_269, %dma_wait3A_282] : memref<200x128xi32, #tpu.memory_space<vmem>> -> memref<1x128xi32, #tpu.memory_space<vmem>>
      %dma_wait3A_284 = tpu.memref_squeeze %dma_wait3A_283 : memref<1x128xi32, #tpu.memory_space<vmem>> -> memref<128xi32, #tpu.memory_space<vmem>>
      %dma_wait3A_285 = arith.constant 0 : i32
      %dma_wait3A_286 = arith.constant 0 : i32
      %dma_wait3A_287 = tpu.memref_slice %arg2[%dma_wait3A_285, %dma_wait3A_286] : memref<2000000x64xf32, #tpu.memory_space<hbm>> -> memref<2000000x64xf32, #tpu.memory_space<hbm>>
      tpu.wait_indirect_dma semaphore(%arg10 : memref<!tpu.dma_semaphore, #tpu.memory_space<semaphore_mem>>) src(%dma_wait3A_287 : memref<2000000x64xf32, #tpu.memory_space<hbm>>) dst(%dma_wait3A_281 : memref<128x64xf32, #tpu.memory_space<vmem>>)
      %mul3A_288 = arith.constant 128 : i32
      %mul3A_289 = arith.muli %add3A_269, %mul3A_288 : i32
      %add3A_290 = arith.addi %mul3A_2, %mul3A_289 : i32
      %dma_start3A_291 = arith.constant 3 : i32
      %dma_start3A_292 = arith.constant 0 : i32
      %dma_start3A_293 = arith.constant 0 : i32
      %dma_start3A_294 = tpu.memref_slice %arg6[%dma_start3A_291, %dma_start3A_292, %dma_start3A_293] : memref<8x128x64xf32, #tpu.memory_space<vmem>> -> memref<1x128x64xf32, #tpu.memory_space<vmem>>
      %dma_start3A_295 = tpu.memref_squeeze %dma_start3A_294 : memref<1x128x64xf32, #tpu.memory_space<vmem>> -> memref<128x64xf32, #tpu.memory_space<vmem>>
      %dma_start3A_296 = arith.constant 0 : i32
      %dma_start3A_297 = tpu.memref_slice %arg4[%add3A_290, %dma_start3A_296] : memref<819200x128xf32, #tpu.memory_space<hbm>> -> memref<128x64xf32, #tpu.memory_space<hbm>>
      %dma_start3A_298 = arith.constant 0 : i32
      %dma_start3A_299 = tpu.memref_slice %arg4[%add3A_290, %dma_start3A_298] : memref<819200x128xf32, #tpu.memory_space<hbm>> -> memref<128x64xf32, #tpu.memory_space<hbm>>
      %dma_start3A_300 = arith.constant 0 : i32
      %dma_start3A_301 = arith.constant 0 : i32
      %dma_start3A_302 = tpu.memref_slice %arg6[%dma_start3A_291, %dma_start3A_300, %dma_start3A_301] : memref<8x128x64xf32, #tpu.memory_space<vmem>> -> memref<1x128x64xf32, #tpu.memory_space<vmem>>
      %dma_start3A_303 = tpu.memref_squeeze %dma_start3A_302 : memref<1x128x64xf32, #tpu.memory_space<vmem>> -> memref<128x64xf32, #tpu.memory_space<vmem>>
      tpu.enqueue_dma source(%dma_start3A_303 : memref<128x64xf32, #tpu.memory_space<vmem>>) target(%dma_start3A_299 : memref<128x64xf32, #tpu.memory_space<hbm>>) target_semaphore(%arg18 : memref<!tpu.dma_semaphore, #tpu.memory_space<semaphore_mem>>)
      %add3A_304 = arith.constant 4 : i32
      %add3A_305 = arith.addi %mul3A_162, %add3A_304 : i32
      %add3A_306 = arith.constant 4 : i32
      %add3A_307 = arith.addi %add3A_305, %add3A_306 : i32
      %lt3A_308 = arith.constant 200 : i32
      %lt3A_309 = arith.cmpi slt, %add3A_307, %lt3A_308 : i32
      %convert_element_type3A_310 = arith.extui %lt3A_309 : i1 to i32
      %cond3A_311 = arith.constant 0 : i32
      %cond3A_312 = arith.cmpi ne, %convert_element_type3A_310, %cond3A_311 : i32
      scf.if %cond3A_312 {
        %ge3A = arith.constant 8 : i32
        %ge3A_449 = arith.cmpi sge, %add3A_307, %ge3A : i32
        %convert_element_type3A_450 = arith.extui %ge3A_449 : i1 to i32
        %cond3A_451 = arith.constant 0 : i32
        %cond3A_452 = arith.cmpi ne, %convert_element_type3A_450, %cond3A_451 : i32
        scf.if %cond3A_452 {
          %dma_wait3A_464 = arith.constant 0 : i32
          %dma_wait3A_465 = arith.constant 0 : i32
          %dma_wait3A_466 = arith.constant 0 : i32
          %dma_wait3A_467 = tpu.memref_slice %arg6[%dma_wait3A_464, %dma_wait3A_465, %dma_wait3A_466] : memref<8x128x64xf32, #tpu.memory_space<vmem>> -> memref<1x128x64xf32, #tpu.memory_space<vmem>>
          %dma_wait3A_468 = tpu.memref_squeeze %dma_wait3A_467 : memref<1x128x64xf32, #tpu.memory_space<vmem>> -> memref<128x64xf32, #tpu.memory_space<vmem>>
          %dma_wait3A_469 = arith.constant 0 : i32
          %dma_wait3A_470 = tpu.memref_slice %arg4[%mul3A_2, %dma_wait3A_469] : memref<819200x128xf32, #tpu.memory_space<hbm>> -> memref<128x64xf32, #tpu.memory_space<hbm>>
          %dma_wait3A_471 = arith.constant 0 : i32
          %dma_wait3A_472 = tpu.memref_slice %arg4[%mul3A_2, %dma_wait3A_471] : memref<819200x128xf32, #tpu.memory_space<hbm>> -> memref<128x64xf32, #tpu.memory_space<hbm>>
          %dma_wait3A_473 = arith.constant 0 : i32
          %dma_wait3A_474 = arith.constant 0 : i32
          %dma_wait3A_475 = tpu.memref_slice %arg6[%dma_wait3A_464, %dma_wait3A_473, %dma_wait3A_474] : memref<8x128x64xf32, #tpu.memory_space<vmem>> -> memref<1x128x64xf32, #tpu.memory_space<vmem>>
          %dma_wait3A_476 = tpu.memref_squeeze %dma_wait3A_475 : memref<1x128x64xf32, #tpu.memory_space<vmem>> -> memref<128x64xf32, #tpu.memory_space<vmem>>
          tpu.wait_dma2 semaphore(%arg15 : memref<!tpu.dma_semaphore, #tpu.memory_space<semaphore_mem>>) src(%dma_wait3A_476 : memref<128x64xf32, #tpu.memory_space<vmem>>) dst(%dma_wait3A_472 : memref<128x64xf32, #tpu.memory_space<hbm>>)
        } else {
        }
        %dma_start3A_453 = arith.constant 0 : i32
        %dma_start3A_454 = arith.constant 0 : i32
        %dma_start3A_455 = arith.constant 0 : i32
        %dma_start3A_456 = tpu.memref_slice %arg6[%dma_start3A_453, %dma_start3A_454, %dma_start3A_455] : memref<8x128x64xf32, #tpu.memory_space<vmem>> -> memref<1x128x64xf32, #tpu.memory_space<vmem>>
        %dma_start3A_457 = tpu.memref_squeeze %dma_start3A_456 : memref<1x128x64xf32, #tpu.memory_space<vmem>> -> memref<128x64xf32, #tpu.memory_space<vmem>>
        %dma_start3A_458 = arith.constant 0 : i32
        %dma_start3A_459 = tpu.memref_slice %arg5[%add3A_307, %dma_start3A_458] : memref<200x128xi32, #tpu.memory_space<vmem>> -> memref<1x128xi32, #tpu.memory_space<vmem>>
        %dma_start3A_460 = tpu.memref_squeeze %dma_start3A_459 : memref<1x128xi32, #tpu.memory_space<vmem>> -> memref<128xi32, #tpu.memory_space<vmem>>
        %dma_start3A_461 = arith.constant 0 : i32
        %dma_start3A_462 = arith.constant 0 : i32
        %dma_start3A_463 = tpu.memref_slice %arg2[%dma_start3A_461, %dma_start3A_462] : memref<2000000x64xf32, #tpu.memory_space<hbm>> -> memref<2000000x64xf32, #tpu.memory_space<hbm>>
        tpu.enqueue_indirect_dma source(%dma_start3A_463 : memref<2000000x64xf32, #tpu.memory_space<hbm>>) target(%dma_start3A_457 : memref<128x64xf32, #tpu.memory_space<vmem>>) offsets(%dma_start3A_460 : memref<128xi32, #tpu.memory_space<vmem>>) semaphore(%arg7 : memref<!tpu.dma_semaphore, #tpu.memory_space<semaphore_mem>>)
      } else {
      }
      %dma_wait3A_313 = arith.constant 4 : i32
      %dma_wait3A_314 = arith.constant 0 : i32
      %dma_wait3A_315 = arith.constant 0 : i32
      %dma_wait3A_316 = tpu.memref_slice %arg6[%dma_wait3A_313, %dma_wait3A_314, %dma_wait3A_315] : memref<8x128x64xf32, #tpu.memory_space<vmem>> -> memref<1x128x64xf32, #tpu.memory_space<vmem>>
      %dma_wait3A_317 = tpu.memref_squeeze %dma_wait3A_316 : memref<1x128x64xf32, #tpu.memory_space<vmem>> -> memref<128x64xf32, #tpu.memory_space<vmem>>
      %dma_wait3A_318 = arith.constant 0 : i32
      %dma_wait3A_319 = tpu.memref_slice %arg5[%add3A_305, %dma_wait3A_318] : memref<200x128xi32, #tpu.memory_space<vmem>> -> memref<1x128xi32, #tpu.memory_space<vmem>>
      %dma_wait3A_320 = tpu.memref_squeeze %dma_wait3A_319 : memref<1x128xi32, #tpu.memory_space<vmem>> -> memref<128xi32, #tpu.memory_space<vmem>>
      %dma_wait3A_321 = arith.constant 0 : i32
      %dma_wait3A_322 = arith.constant 0 : i32
      %dma_wait3A_323 = tpu.memref_slice %arg2[%dma_wait3A_321, %dma_wait3A_322] : memref<2000000x64xf32, #tpu.memory_space<hbm>> -> memref<2000000x64xf32, #tpu.memory_space<hbm>>
      tpu.wait_indirect_dma semaphore(%arg11 : memref<!tpu.dma_semaphore, #tpu.memory_space<semaphore_mem>>) src(%dma_wait3A_323 : memref<2000000x64xf32, #tpu.memory_space<hbm>>) dst(%dma_wait3A_317 : memref<128x64xf32, #tpu.memory_space<vmem>>)
      %mul3A_324 = arith.constant 128 : i32
      %mul3A_325 = arith.muli %add3A_305, %mul3A_324 : i32
      %add3A_326 = arith.addi %mul3A_2, %mul3A_325 : i32
      %dma_start3A_327 = arith.constant 4 : i32
      %dma_start3A_328 = arith.constant 0 : i32
      %dma_start3A_329 = arith.constant 0 : i32
      %dma_start3A_330 = tpu.memref_slice %arg6[%dma_start3A_327, %dma_start3A_328, %dma_start3A_329] : memref<8x128x64xf32, #tpu.memory_space<vmem>> -> memref<1x128x64xf32, #tpu.memory_space<vmem>>
      %dma_start3A_331 = tpu.memref_squeeze %dma_start3A_330 : memref<1x128x64xf32, #tpu.memory_space<vmem>> -> memref<128x64xf32, #tpu.memory_space<vmem>>
      %dma_start3A_332 = arith.constant 0 : i32
      %dma_start3A_333 = tpu.memref_slice %arg4[%add3A_326, %dma_start3A_332] : memref<819200x128xf32, #tpu.memory_space<hbm>> -> memref<128x64xf32, #tpu.memory_space<hbm>>
      %dma_start3A_334 = arith.constant 0 : i32
      %dma_start3A_335 = tpu.memref_slice %arg4[%add3A_326, %dma_start3A_334] : memref<819200x128xf32, #tpu.memory_space<hbm>> -> memref<128x64xf32, #tpu.memory_space<hbm>>
      %dma_start3A_336 = arith.constant 0 : i32
      %dma_start3A_337 = arith.constant 0 : i32
      %dma_start3A_338 = tpu.memref_slice %arg6[%dma_start3A_327, %dma_start3A_336, %dma_start3A_337] : memref<8x128x64xf32, #tpu.memory_space<vmem>> -> memref<1x128x64xf32, #tpu.memory_space<vmem>>
      %dma_start3A_339 = tpu.memref_squeeze %dma_start3A_338 : memref<1x128x64xf32, #tpu.memory_space<vmem>> -> memref<128x64xf32, #tpu.memory_space<vmem>>
      tpu.enqueue_dma source(%dma_start3A_339 : memref<128x64xf32, #tpu.memory_space<vmem>>) target(%dma_start3A_335 : memref<128x64xf32, #tpu.memory_space<hbm>>) target_semaphore(%arg19 : memref<!tpu.dma_semaphore, #tpu.memory_space<semaphore_mem>>)
      %add3A_340 = arith.constant 5 : i32
      %add3A_341 = arith.addi %mul3A_162, %add3A_340 : i32
      %add3A_342 = arith.constant 4 : i32
      %add3A_343 = arith.addi %add3A_341, %add3A_342 : i32
      %lt3A_344 = arith.constant 200 : i32
      %lt3A_345 = arith.cmpi slt, %add3A_343, %lt3A_344 : i32
      %convert_element_type3A_346 = arith.extui %lt3A_345 : i1 to i32
      %cond3A_347 = arith.constant 0 : i32
      %cond3A_348 = arith.cmpi ne, %convert_element_type3A_346, %cond3A_347 : i32
      scf.if %cond3A_348 {
        %ge3A = arith.constant 8 : i32
        %ge3A_449 = arith.cmpi sge, %add3A_343, %ge3A : i32
        %convert_element_type3A_450 = arith.extui %ge3A_449 : i1 to i32
        %cond3A_451 = arith.constant 0 : i32
        %cond3A_452 = arith.cmpi ne, %convert_element_type3A_450, %cond3A_451 : i32
        scf.if %cond3A_452 {
          %dma_wait3A_464 = arith.constant 1 : i32
          %dma_wait3A_465 = arith.constant 0 : i32
          %dma_wait3A_466 = arith.constant 0 : i32
          %dma_wait3A_467 = tpu.memref_slice %arg6[%dma_wait3A_464, %dma_wait3A_465, %dma_wait3A_466] : memref<8x128x64xf32, #tpu.memory_space<vmem>> -> memref<1x128x64xf32, #tpu.memory_space<vmem>>
          %dma_wait3A_468 = tpu.memref_squeeze %dma_wait3A_467 : memref<1x128x64xf32, #tpu.memory_space<vmem>> -> memref<128x64xf32, #tpu.memory_space<vmem>>
          %dma_wait3A_469 = arith.constant 0 : i32
          %dma_wait3A_470 = tpu.memref_slice %arg4[%mul3A_2, %dma_wait3A_469] : memref<819200x128xf32, #tpu.memory_space<hbm>> -> memref<128x64xf32, #tpu.memory_space<hbm>>
          %dma_wait3A_471 = arith.constant 0 : i32
          %dma_wait3A_472 = tpu.memref_slice %arg4[%mul3A_2, %dma_wait3A_471] : memref<819200x128xf32, #tpu.memory_space<hbm>> -> memref<128x64xf32, #tpu.memory_space<hbm>>
          %dma_wait3A_473 = arith.constant 0 : i32
          %dma_wait3A_474 = arith.constant 0 : i32
          %dma_wait3A_475 = tpu.memref_slice %arg6[%dma_wait3A_464, %dma_wait3A_473, %dma_wait3A_474] : memref<8x128x64xf32, #tpu.memory_space<vmem>> -> memref<1x128x64xf32, #tpu.memory_space<vmem>>
          %dma_wait3A_476 = tpu.memref_squeeze %dma_wait3A_475 : memref<1x128x64xf32, #tpu.memory_space<vmem>> -> memref<128x64xf32, #tpu.memory_space<vmem>>
          tpu.wait_dma2 semaphore(%arg16 : memref<!tpu.dma_semaphore, #tpu.memory_space<semaphore_mem>>) src(%dma_wait3A_476 : memref<128x64xf32, #tpu.memory_space<vmem>>) dst(%dma_wait3A_472 : memref<128x64xf32, #tpu.memory_space<hbm>>)
        } else {
        }
        %dma_start3A_453 = arith.constant 1 : i32
        %dma_start3A_454 = arith.constant 0 : i32
        %dma_start3A_455 = arith.constant 0 : i32
        %dma_start3A_456 = tpu.memref_slice %arg6[%dma_start3A_453, %dma_start3A_454, %dma_start3A_455] : memref<8x128x64xf32, #tpu.memory_space<vmem>> -> memref<1x128x64xf32, #tpu.memory_space<vmem>>
        %dma_start3A_457 = tpu.memref_squeeze %dma_start3A_456 : memref<1x128x64xf32, #tpu.memory_space<vmem>> -> memref<128x64xf32, #tpu.memory_space<vmem>>
        %dma_start3A_458 = arith.constant 0 : i32
        %dma_start3A_459 = tpu.memref_slice %arg5[%add3A_343, %dma_start3A_458] : memref<200x128xi32, #tpu.memory_space<vmem>> -> memref<1x128xi32, #tpu.memory_space<vmem>>
        %dma_start3A_460 = tpu.memref_squeeze %dma_start3A_459 : memref<1x128xi32, #tpu.memory_space<vmem>> -> memref<128xi32, #tpu.memory_space<vmem>>
        %dma_start3A_461 = arith.constant 0 : i32
        %dma_start3A_462 = arith.constant 0 : i32
        %dma_start3A_463 = tpu.memref_slice %arg2[%dma_start3A_461, %dma_start3A_462] : memref<2000000x64xf32, #tpu.memory_space<hbm>> -> memref<2000000x64xf32, #tpu.memory_space<hbm>>
        tpu.enqueue_indirect_dma source(%dma_start3A_463 : memref<2000000x64xf32, #tpu.memory_space<hbm>>) target(%dma_start3A_457 : memref<128x64xf32, #tpu.memory_space<vmem>>) offsets(%dma_start3A_460 : memref<128xi32, #tpu.memory_space<vmem>>) semaphore(%arg8 : memref<!tpu.dma_semaphore, #tpu.memory_space<semaphore_mem>>)
      } else {
      }
      %dma_wait3A_349 = arith.constant 5 : i32
      %dma_wait3A_350 = arith.constant 0 : i32
      %dma_wait3A_351 = arith.constant 0 : i32
      %dma_wait3A_352 = tpu.memref_slice %arg6[%dma_wait3A_349, %dma_wait3A_350, %dma_wait3A_351] : memref<8x128x64xf32, #tpu.memory_space<vmem>> -> memref<1x128x64xf32, #tpu.memory_space<vmem>>
      %dma_wait3A_353 = tpu.memref_squeeze %dma_wait3A_352 : memref<1x128x64xf32, #tpu.memory_space<vmem>> -> memref<128x64xf32, #tpu.memory_space<vmem>>
      %dma_wait3A_354 = arith.constant 0 : i32
      %dma_wait3A_355 = tpu.memref_slice %arg5[%add3A_341, %dma_wait3A_354] : memref<200x128xi32, #tpu.memory_space<vmem>> -> memref<1x128xi32, #tpu.memory_space<vmem>>
      %dma_wait3A_356 = tpu.memref_squeeze %dma_wait3A_355 : memref<1x128xi32, #tpu.memory_space<vmem>> -> memref<128xi32, #tpu.memory_space<vmem>>
      %dma_wait3A_357 = arith.constant 0 : i32
      %dma_wait3A_358 = arith.constant 0 : i32
      %dma_wait3A_359 = tpu.memref_slice %arg2[%dma_wait3A_357, %dma_wait3A_358] : memref<2000000x64xf32, #tpu.memory_space<hbm>> -> memref<2000000x64xf32, #tpu.memory_space<hbm>>
      tpu.wait_indirect_dma semaphore(%arg12 : memref<!tpu.dma_semaphore, #tpu.memory_space<semaphore_mem>>) src(%dma_wait3A_359 : memref<2000000x64xf32, #tpu.memory_space<hbm>>) dst(%dma_wait3A_353 : memref<128x64xf32, #tpu.memory_space<vmem>>)
      %mul3A_360 = arith.constant 128 : i32
      %mul3A_361 = arith.muli %add3A_341, %mul3A_360 : i32
      %add3A_362 = arith.addi %mul3A_2, %mul3A_361 : i32
      %dma_start3A_363 = arith.constant 5 : i32
      %dma_start3A_364 = arith.constant 0 : i32
      %dma_start3A_365 = arith.constant 0 : i32
      %dma_start3A_366 = tpu.memref_slice %arg6[%dma_start3A_363, %dma_start3A_364, %dma_start3A_365] : memref<8x128x64xf32, #tpu.memory_space<vmem>> -> memref<1x128x64xf32, #tpu.memory_space<vmem>>
      %dma_start3A_367 = tpu.memref_squeeze %dma_start3A_366 : memref<1x128x64xf32, #tpu.memory_space<vmem>> -> memref<128x64xf32, #tpu.memory_space<vmem>>
      %dma_start3A_368 = arith.constant 0 : i32
      %dma_start3A_369 = tpu.memref_slice %arg4[%add3A_362, %dma_start3A_368] : memref<819200x128xf32, #tpu.memory_space<hbm>> -> memref<128x64xf32, #tpu.memory_space<hbm>>
      %dma_start3A_370 = arith.constant 0 : i32
      %dma_start3A_371 = tpu.memref_slice %arg4[%add3A_362, %dma_start3A_370] : memref<819200x128xf32, #tpu.memory_space<hbm>> -> memref<128x64xf32, #tpu.memory_space<hbm>>
      %dma_start3A_372 = arith.constant 0 : i32
      %dma_start3A_373 = arith.constant 0 : i32
      %dma_start3A_374 = tpu.memref_slice %arg6[%dma_start3A_363, %dma_start3A_372, %dma_start3A_373] : memref<8x128x64xf32, #tpu.memory_space<vmem>> -> memref<1x128x64xf32, #tpu.memory_space<vmem>>
      %dma_start3A_375 = tpu.memref_squeeze %dma_start3A_374 : memref<1x128x64xf32, #tpu.memory_space<vmem>> -> memref<128x64xf32, #tpu.memory_space<vmem>>
      tpu.enqueue_dma source(%dma_start3A_375 : memref<128x64xf32, #tpu.memory_space<vmem>>) target(%dma_start3A_371 : memref<128x64xf32, #tpu.memory_space<hbm>>) target_semaphore(%arg20 : memref<!tpu.dma_semaphore, #tpu.memory_space<semaphore_mem>>)
      %add3A_376 = arith.constant 6 : i32
      %add3A_377 = arith.addi %mul3A_162, %add3A_376 : i32
      %add3A_378 = arith.constant 4 : i32
      %add3A_379 = arith.addi %add3A_377, %add3A_378 : i32
      %lt3A_380 = arith.constant 200 : i32
      %lt3A_381 = arith.cmpi slt, %add3A_379, %lt3A_380 : i32
      %convert_element_type3A_382 = arith.extui %lt3A_381 : i1 to i32
      %cond3A_383 = arith.constant 0 : i32
      %cond3A_384 = arith.cmpi ne, %convert_element_type3A_382, %cond3A_383 : i32
      scf.if %cond3A_384 {
        %ge3A = arith.constant 8 : i32
        %ge3A_449 = arith.cmpi sge, %add3A_379, %ge3A : i32
        %convert_element_type3A_450 = arith.extui %ge3A_449 : i1 to i32
        %cond3A_451 = arith.constant 0 : i32
        %cond3A_452 = arith.cmpi ne, %convert_element_type3A_450, %cond3A_451 : i32
        scf.if %cond3A_452 {
          %dma_wait3A_464 = arith.constant 2 : i32
          %dma_wait3A_465 = arith.constant 0 : i32
          %dma_wait3A_466 = arith.constant 0 : i32
          %dma_wait3A_467 = tpu.memref_slice %arg6[%dma_wait3A_464, %dma_wait3A_465, %dma_wait3A_466] : memref<8x128x64xf32, #tpu.memory_space<vmem>> -> memref<1x128x64xf32, #tpu.memory_space<vmem>>
          %dma_wait3A_468 = tpu.memref_squeeze %dma_wait3A_467 : memref<1x128x64xf32, #tpu.memory_space<vmem>> -> memref<128x64xf32, #tpu.memory_space<vmem>>
          %dma_wait3A_469 = arith.constant 0 : i32
          %dma_wait3A_470 = tpu.memref_slice %arg4[%mul3A_2, %dma_wait3A_469] : memref<819200x128xf32, #tpu.memory_space<hbm>> -> memref<128x64xf32, #tpu.memory_space<hbm>>
          %dma_wait3A_471 = arith.constant 0 : i32
          %dma_wait3A_472 = tpu.memref_slice %arg4[%mul3A_2, %dma_wait3A_471] : memref<819200x128xf32, #tpu.memory_space<hbm>> -> memref<128x64xf32, #tpu.memory_space<hbm>>
          %dma_wait3A_473 = arith.constant 0 : i32
          %dma_wait3A_474 = arith.constant 0 : i32
          %dma_wait3A_475 = tpu.memref_slice %arg6[%dma_wait3A_464, %dma_wait3A_473, %dma_wait3A_474] : memref<8x128x64xf32, #tpu.memory_space<vmem>> -> memref<1x128x64xf32, #tpu.memory_space<vmem>>
          %dma_wait3A_476 = tpu.memref_squeeze %dma_wait3A_475 : memref<1x128x64xf32, #tpu.memory_space<vmem>> -> memref<128x64xf32, #tpu.memory_space<vmem>>
          tpu.wait_dma2 semaphore(%arg17 : memref<!tpu.dma_semaphore, #tpu.memory_space<semaphore_mem>>) src(%dma_wait3A_476 : memref<128x64xf32, #tpu.memory_space<vmem>>) dst(%dma_wait3A_472 : memref<128x64xf32, #tpu.memory_space<hbm>>)
        } else {
        }
        %dma_start3A_453 = arith.constant 2 : i32
        %dma_start3A_454 = arith.constant 0 : i32
        %dma_start3A_455 = arith.constant 0 : i32
        %dma_start3A_456 = tpu.memref_slice %arg6[%dma_start3A_453, %dma_start3A_454, %dma_start3A_455] : memref<8x128x64xf32, #tpu.memory_space<vmem>> -> memref<1x128x64xf32, #tpu.memory_space<vmem>>
        %dma_start3A_457 = tpu.memref_squeeze %dma_start3A_456 : memref<1x128x64xf32, #tpu.memory_space<vmem>> -> memref<128x64xf32, #tpu.memory_space<vmem>>
        %dma_start3A_458 = arith.constant 0 : i32
        %dma_start3A_459 = tpu.memref_slice %arg5[%add3A_379, %dma_start3A_458] : memref<200x128xi32, #tpu.memory_space<vmem>> -> memref<1x128xi32, #tpu.memory_space<vmem>>
        %dma_start3A_460 = tpu.memref_squeeze %dma_start3A_459 : memref<1x128xi32, #tpu.memory_space<vmem>> -> memref<128xi32, #tpu.memory_space<vmem>>
        %dma_start3A_461 = arith.constant 0 : i32
        %dma_start3A_462 = arith.constant 0 : i32
        %dma_start3A_463 = tpu.memref_slice %arg2[%dma_start3A_461, %dma_start3A_462] : memref<2000000x64xf32, #tpu.memory_space<hbm>> -> memref<2000000x64xf32, #tpu.memory_space<hbm>>
        tpu.enqueue_indirect_dma source(%dma_start3A_463 : memref<2000000x64xf32, #tpu.memory_space<hbm>>) target(%dma_start3A_457 : memref<128x64xf32, #tpu.memory_space<vmem>>) offsets(%dma_start3A_460 : memref<128xi32, #tpu.memory_space<vmem>>) semaphore(%arg9 : memref<!tpu.dma_semaphore, #tpu.memory_space<semaphore_mem>>)
      } else {
      }
      %dma_wait3A_385 = arith.constant 6 : i32
      %dma_wait3A_386 = arith.constant 0 : i32
      %dma_wait3A_387 = arith.constant 0 : i32
      %dma_wait3A_388 = tpu.memref_slice %arg6[%dma_wait3A_385, %dma_wait3A_386, %dma_wait3A_387] : memref<8x128x64xf32, #tpu.memory_space<vmem>> -> memref<1x128x64xf32, #tpu.memory_space<vmem>>
      %dma_wait3A_389 = tpu.memref_squeeze %dma_wait3A_388 : memref<1x128x64xf32, #tpu.memory_space<vmem>> -> memref<128x64xf32, #tpu.memory_space<vmem>>
      %dma_wait3A_390 = arith.constant 0 : i32
      %dma_wait3A_391 = tpu.memref_slice %arg5[%add3A_377, %dma_wait3A_390] : memref<200x128xi32, #tpu.memory_space<vmem>> -> memref<1x128xi32, #tpu.memory_space<vmem>>
      %dma_wait3A_392 = tpu.memref_squeeze %dma_wait3A_391 : memref<1x128xi32, #tpu.memory_space<vmem>> -> memref<128xi32, #tpu.memory_space<vmem>>
      %dma_wait3A_393 = arith.constant 0 : i32
      %dma_wait3A_394 = arith.constant 0 : i32
      %dma_wait3A_395 = tpu.memref_slice %arg2[%dma_wait3A_393, %dma_wait3A_394] : memref<2000000x64xf32, #tpu.memory_space<hbm>> -> memref<2000000x64xf32, #tpu.memory_space<hbm>>
      tpu.wait_indirect_dma semaphore(%arg13 : memref<!tpu.dma_semaphore, #tpu.memory_space<semaphore_mem>>) src(%dma_wait3A_395 : memref<2000000x64xf32, #tpu.memory_space<hbm>>) dst(%dma_wait3A_389 : memref<128x64xf32, #tpu.memory_space<vmem>>)
      %mul3A_396 = arith.constant 128 : i32
      %mul3A_397 = arith.muli %add3A_377, %mul3A_396 : i32
      %add3A_398 = arith.addi %mul3A_2, %mul3A_397 : i32
      %dma_start3A_399 = arith.constant 6 : i32
      %dma_start3A_400 = arith.constant 0 : i32
      %dma_start3A_401 = arith.constant 0 : i32
      %dma_start3A_402 = tpu.memref_slice %arg6[%dma_start3A_399, %dma_start3A_400, %dma_start3A_401] : memref<8x128x64xf32, #tpu.memory_space<vmem>> -> memref<1x128x64xf32, #tpu.memory_space<vmem>>
      %dma_start3A_403 = tpu.memref_squeeze %dma_start3A_402 : memref<1x128x64xf32, #tpu.memory_space<vmem>> -> memref<128x64xf32, #tpu.memory_space<vmem>>
      %dma_start3A_404 = arith.constant 0 : i32
      %dma_start3A_405 = tpu.memref_slice %arg4[%add3A_398, %dma_start3A_404] : memref<819200x128xf32, #tpu.memory_space<hbm>> -> memref<128x64xf32, #tpu.memory_space<hbm>>
      %dma_start3A_406 = arith.constant 0 : i32
      %dma_start3A_407 = tpu.memref_slice %arg4[%add3A_398, %dma_start3A_406] : memref<819200x128xf32, #tpu.memory_space<hbm>> -> memref<128x64xf32, #tpu.memory_space<hbm>>
      %dma_start3A_408 = arith.constant 0 : i32
      %dma_start3A_409 = arith.constant 0 : i32
      %dma_start3A_410 = tpu.memref_slice %arg6[%dma_start3A_399, %dma_start3A_408, %dma_start3A_409] : memref<8x128x64xf32, #tpu.memory_space<vmem>> -> memref<1x128x64xf32, #tpu.memory_space<vmem>>
      %dma_start3A_411 = tpu.memref_squeeze %dma_start3A_410 : memref<1x128x64xf32, #tpu.memory_space<vmem>> -> memref<128x64xf32, #tpu.memory_space<vmem>>
      tpu.enqueue_dma source(%dma_start3A_411 : memref<128x64xf32, #tpu.memory_space<vmem>>) target(%dma_start3A_407 : memref<128x64xf32, #tpu.memory_space<hbm>>) target_semaphore(%arg21 : memref<!tpu.dma_semaphore, #tpu.memory_space<semaphore_mem>>)
      %add3A_412 = arith.constant 7 : i32
      %add3A_413 = arith.addi %mul3A_162, %add3A_412 : i32
      %add3A_414 = arith.constant 4 : i32
      %add3A_415 = arith.addi %add3A_413, %add3A_414 : i32
      %lt3A_416 = arith.constant 200 : i32
      %lt3A_417 = arith.cmpi slt, %add3A_415, %lt3A_416 : i32
      %convert_element_type3A_418 = arith.extui %lt3A_417 : i1 to i32
      %cond3A_419 = arith.constant 0 : i32
      %cond3A_420 = arith.cmpi ne, %convert_element_type3A_418, %cond3A_419 : i32
      scf.if %cond3A_420 {
        %ge3A = arith.constant 8 : i32
        %ge3A_449 = arith.cmpi sge, %add3A_415, %ge3A : i32
        %convert_element_type3A_450 = arith.extui %ge3A_449 : i1 to i32
        %cond3A_451 = arith.constant 0 : i32
        %cond3A_452 = arith.cmpi ne, %convert_element_type3A_450, %cond3A_451 : i32
        scf.if %cond3A_452 {
          %dma_wait3A_464 = arith.constant 3 : i32
          %dma_wait3A_465 = arith.constant 0 : i32
          %dma_wait3A_466 = arith.constant 0 : i32
          %dma_wait3A_467 = tpu.memref_slice %arg6[%dma_wait3A_464, %dma_wait3A_465, %dma_wait3A_466] : memref<8x128x64xf32, #tpu.memory_space<vmem>> -> memref<1x128x64xf32, #tpu.memory_space<vmem>>
          %dma_wait3A_468 = tpu.memref_squeeze %dma_wait3A_467 : memref<1x128x64xf32, #tpu.memory_space<vmem>> -> memref<128x64xf32, #tpu.memory_space<vmem>>
          %dma_wait3A_469 = arith.constant 0 : i32
          %dma_wait3A_470 = tpu.memref_slice %arg4[%mul3A_2, %dma_wait3A_469] : memref<819200x128xf32, #tpu.memory_space<hbm>> -> memref<128x64xf32, #tpu.memory_space<hbm>>
          %dma_wait3A_471 = arith.constant 0 : i32
          %dma_wait3A_472 = tpu.memref_slice %arg4[%mul3A_2, %dma_wait3A_471] : memref<819200x128xf32, #tpu.memory_space<hbm>> -> memref<128x64xf32, #tpu.memory_space<hbm>>
          %dma_wait3A_473 = arith.constant 0 : i32
          %dma_wait3A_474 = arith.constant 0 : i32
          %dma_wait3A_475 = tpu.memref_slice %arg6[%dma_wait3A_464, %dma_wait3A_473, %dma_wait3A_474] : memref<8x128x64xf32, #tpu.memory_space<vmem>> -> memref<1x128x64xf32, #tpu.memory_space<vmem>>
          %dma_wait3A_476 = tpu.memref_squeeze %dma_wait3A_475 : memref<1x128x64xf32, #tpu.memory_space<vmem>> -> memref<128x64xf32, #tpu.memory_space<vmem>>
          tpu.wait_dma2 semaphore(%arg18 : memref<!tpu.dma_semaphore, #tpu.memory_space<semaphore_mem>>) src(%dma_wait3A_476 : memref<128x64xf32, #tpu.memory_space<vmem>>) dst(%dma_wait3A_472 : memref<128x64xf32, #tpu.memory_space<hbm>>)
        } else {
        }
        %dma_start3A_453 = arith.constant 3 : i32
        %dma_start3A_454 = arith.constant 0 : i32
        %dma_start3A_455 = arith.constant 0 : i32
        %dma_start3A_456 = tpu.memref_slice %arg6[%dma_start3A_453, %dma_start3A_454, %dma_start3A_455] : memref<8x128x64xf32, #tpu.memory_space<vmem>> -> memref<1x128x64xf32, #tpu.memory_space<vmem>>
        %dma_start3A_457 = tpu.memref_squeeze %dma_start3A_456 : memref<1x128x64xf32, #tpu.memory_space<vmem>> -> memref<128x64xf32, #tpu.memory_space<vmem>>
        %dma_start3A_458 = arith.constant 0 : i32
        %dma_start3A_459 = tpu.memref_slice %arg5[%add3A_415, %dma_start3A_458] : memref<200x128xi32, #tpu.memory_space<vmem>> -> memref<1x128xi32, #tpu.memory_space<vmem>>
        %dma_start3A_460 = tpu.memref_squeeze %dma_start3A_459 : memref<1x128xi32, #tpu.memory_space<vmem>> -> memref<128xi32, #tpu.memory_space<vmem>>
        %dma_start3A_461 = arith.constant 0 : i32
        %dma_start3A_462 = arith.constant 0 : i32
        %dma_start3A_463 = tpu.memref_slice %arg2[%dma_start3A_461, %dma_start3A_462] : memref<2000000x64xf32, #tpu.memory_space<hbm>> -> memref<2000000x64xf32, #tpu.memory_space<hbm>>
        tpu.enqueue_indirect_dma source(%dma_start3A_463 : memref<2000000x64xf32, #tpu.memory_space<hbm>>) target(%dma_start3A_457 : memref<128x64xf32, #tpu.memory_space<vmem>>) offsets(%dma_start3A_460 : memref<128xi32, #tpu.memory_space<vmem>>) semaphore(%arg10 : memref<!tpu.dma_semaphore, #tpu.memory_space<semaphore_mem>>)
      } else {
      }
      %dma_wait3A_421 = arith.constant 7 : i32
      %dma_wait3A_422 = arith.constant 0 : i32
      %dma_wait3A_423 = arith.constant 0 : i32
      %dma_wait3A_424 = tpu.memref_slice %arg6[%dma_wait3A_421, %dma_wait3A_422, %dma_wait3A_423] : memref<8x128x64xf32, #tpu.memory_space<vmem>> -> memref<1x128x64xf32, #tpu.memory_space<vmem>>
      %dma_wait3A_425 = tpu.memref_squeeze %dma_wait3A_424 : memref<1x128x64xf32, #tpu.memory_space<vmem>> -> memref<128x64xf32, #tpu.memory_space<vmem>>
      %dma_wait3A_426 = arith.constant 0 : i32
      %dma_wait3A_427 = tpu.memref_slice %arg5[%add3A_413, %dma_wait3A_426] : memref<200x128xi32, #tpu.memory_space<vmem>> -> memref<1x128xi32, #tpu.memory_space<vmem>>
      %dma_wait3A_428 = tpu.memref_squeeze %dma_wait3A_427 : memref<1x128xi32, #tpu.memory_space<vmem>> -> memref<128xi32, #tpu.memory_space<vmem>>
      %dma_wait3A_429 = arith.constant 0 : i32
      %dma_wait3A_430 = arith.constant 0 : i32
      %dma_wait3A_431 = tpu.memref_slice %arg2[%dma_wait3A_429, %dma_wait3A_430] : memref<2000000x64xf32, #tpu.memory_space<hbm>> -> memref<2000000x64xf32, #tpu.memory_space<hbm>>
      tpu.wait_indirect_dma semaphore(%arg14 : memref<!tpu.dma_semaphore, #tpu.memory_space<semaphore_mem>>) src(%dma_wait3A_431 : memref<2000000x64xf32, #tpu.memory_space<hbm>>) dst(%dma_wait3A_425 : memref<128x64xf32, #tpu.memory_space<vmem>>)
      %mul3A_432 = arith.constant 128 : i32
      %mul3A_433 = arith.muli %add3A_413, %mul3A_432 : i32
      %add3A_434 = arith.addi %mul3A_2, %mul3A_433 : i32
      %dma_start3A_435 = arith.constant 7 : i32
      %dma_start3A_436 = arith.constant 0 : i32
      %dma_start3A_437 = arith.constant 0 : i32
      %dma_start3A_438 = tpu.memref_slice %arg6[%dma_start3A_435, %dma_start3A_436, %dma_start3A_437] : memref<8x128x64xf32, #tpu.memory_space<vmem>> -> memref<1x128x64xf32, #tpu.memory_space<vmem>>
      %dma_start3A_439 = tpu.memref_squeeze %dma_start3A_438 : memref<1x128x64xf32, #tpu.memory_space<vmem>> -> memref<128x64xf32, #tpu.memory_space<vmem>>
      %dma_start3A_440 = arith.constant 0 : i32
      %dma_start3A_441 = tpu.memref_slice %arg4[%add3A_434, %dma_start3A_440] : memref<819200x128xf32, #tpu.memory_space<hbm>> -> memref<128x64xf32, #tpu.memory_space<hbm>>
      %dma_start3A_442 = arith.constant 0 : i32
      %dma_start3A_443 = tpu.memref_slice %arg4[%add3A_434, %dma_start3A_442] : memref<819200x128xf32, #tpu.memory_space<hbm>> -> memref<128x64xf32, #tpu.memory_space<hbm>>
      %dma_start3A_444 = arith.constant 0 : i32
      %dma_start3A_445 = arith.constant 0 : i32
      %dma_start3A_446 = tpu.memref_slice %arg6[%dma_start3A_435, %dma_start3A_444, %dma_start3A_445] : memref<8x128x64xf32, #tpu.memory_space<vmem>> -> memref<1x128x64xf32, #tpu.memory_space<vmem>>
      %dma_start3A_447 = tpu.memref_squeeze %dma_start3A_446 : memref<1x128x64xf32, #tpu.memory_space<vmem>> -> memref<128x64xf32, #tpu.memory_space<vmem>>
      tpu.enqueue_dma source(%dma_start3A_447 : memref<128x64xf32, #tpu.memory_space<vmem>>) target(%dma_start3A_443 : memref<128x64xf32, #tpu.memory_space<hbm>>) target_semaphore(%arg22 : memref<!tpu.dma_semaphore, #tpu.memory_space<semaphore_mem>>)
      %scan3A_448 = arith.constant 0 : i32
      scf.yield %scan3A_448 : i32
    }
    %scan3A_55 = arith.constant 25 : i32
    %dma_wait3A = arith.constant 0 : i32
    %dma_wait3A_56 = arith.constant 0 : i32
    %dma_wait3A_57 = arith.constant 0 : i32
    %dma_wait3A_58 = tpu.memref_slice %arg6[%dma_wait3A, %dma_wait3A_56, %dma_wait3A_57] : memref<8x128x64xf32, #tpu.memory_space<vmem>> -> memref<1x128x64xf32, #tpu.memory_space<vmem>>
    %dma_wait3A_59 = tpu.memref_squeeze %dma_wait3A_58 : memref<1x128x64xf32, #tpu.memory_space<vmem>> -> memref<128x64xf32, #tpu.memory_space<vmem>>
    %dma_wait3A_60 = arith.constant 0 : i32
    %dma_wait3A_61 = tpu.memref_slice %arg4[%mul3A_2, %dma_wait3A_60] : memref<819200x128xf32, #tpu.memory_space<hbm>> -> memref<128x64xf32, #tpu.memory_space<hbm>>
    %dma_wait3A_62 = arith.constant 0 : i32
    %dma_wait3A_63 = tpu.memref_slice %arg4[%mul3A_2, %dma_wait3A_62] : memref<819200x128xf32, #tpu.memory_space<hbm>> -> memref<128x64xf32, #tpu.memory_space<hbm>>
    %dma_wait3A_64 = arith.constant 0 : i32
    %dma_wait3A_65 = arith.constant 0 : i32
    %dma_wait3A_66 = tpu.memref_slice %arg6[%dma_wait3A, %dma_wait3A_64, %dma_wait3A_65] : memref<8x128x64xf32, #tpu.memory_space<vmem>> -> memref<1x128x64xf32, #tpu.memory_space<vmem>>
    %dma_wait3A_67 = tpu.memref_squeeze %dma_wait3A_66 : memref<1x128x64xf32, #tpu.memory_space<vmem>> -> memref<128x64xf32, #tpu.memory_space<vmem>>
    tpu.wait_dma2 semaphore(%arg15 : memref<!tpu.dma_semaphore, #tpu.memory_space<semaphore_mem>>) src(%dma_wait3A_67 : memref<128x64xf32, #tpu.memory_space<vmem>>) dst(%dma_wait3A_63 : memref<128x64xf32, #tpu.memory_space<hbm>>)
    %dma_wait3A_68 = arith.constant 1 : i32
    %dma_wait3A_69 = arith.constant 0 : i32
    %dma_wait3A_70 = arith.constant 0 : i32
    %dma_wait3A_71 = tpu.memref_slice %arg6[%dma_wait3A_68, %dma_wait3A_69, %dma_wait3A_70] : memref<8x128x64xf32, #tpu.memory_space<vmem>> -> memref<1x128x64xf32, #tpu.memory_space<vmem>>
    %dma_wait3A_72 = tpu.memref_squeeze %dma_wait3A_71 : memref<1x128x64xf32, #tpu.memory_space<vmem>> -> memref<128x64xf32, #tpu.memory_space<vmem>>
    %dma_wait3A_73 = arith.constant 0 : i32
    %dma_wait3A_74 = tpu.memref_slice %arg4[%mul3A_2, %dma_wait3A_73] : memref<819200x128xf32, #tpu.memory_space<hbm>> -> memref<128x64xf32, #tpu.memory_space<hbm>>
    %dma_wait3A_75 = arith.constant 0 : i32
    %dma_wait3A_76 = tpu.memref_slice %arg4[%mul3A_2, %dma_wait3A_75] : memref<819200x128xf32, #tpu.memory_space<hbm>> -> memref<128x64xf32, #tpu.memory_space<hbm>>
    %dma_wait3A_77 = arith.constant 0 : i32
    %dma_wait3A_78 = arith.constant 0 : i32
    %dma_wait3A_79 = tpu.memref_slice %arg6[%dma_wait3A_68, %dma_wait3A_77, %dma_wait3A_78] : memref<8x128x64xf32, #tpu.memory_space<vmem>> -> memref<1x128x64xf32, #tpu.memory_space<vmem>>
    %dma_wait3A_80 = tpu.memref_squeeze %dma_wait3A_79 : memref<1x128x64xf32, #tpu.memory_space<vmem>> -> memref<128x64xf32, #tpu.memory_space<vmem>>
    tpu.wait_dma2 semaphore(%arg16 : memref<!tpu.dma_semaphore, #tpu.memory_space<semaphore_mem>>) src(%dma_wait3A_80 : memref<128x64xf32, #tpu.memory_space<vmem>>) dst(%dma_wait3A_76 : memref<128x64xf32, #tpu.memory_space<hbm>>)
    %dma_wait3A_81 = arith.constant 2 : i32
    %dma_wait3A_82 = arith.constant 0 : i32
    %dma_wait3A_83 = arith.constant 0 : i32
    %dma_wait3A_84 = tpu.memref_slice %arg6[%dma_wait3A_81, %dma_wait3A_82, %dma_wait3A_83] : memref<8x128x64xf32, #tpu.memory_space<vmem>> -> memref<1x128x64xf32, #tpu.memory_space<vmem>>
    %dma_wait3A_85 = tpu.memref_squeeze %dma_wait3A_84 : memref<1x128x64xf32, #tpu.memory_space<vmem>> -> memref<128x64xf32, #tpu.memory_space<vmem>>
    %dma_wait3A_86 = arith.constant 0 : i32
    %dma_wait3A_87 = tpu.memref_slice %arg4[%mul3A_2, %dma_wait3A_86] : memref<819200x128xf32, #tpu.memory_space<hbm>> -> memref<128x64xf32, #tpu.memory_space<hbm>>
    %dma_wait3A_88 = arith.constant 0 : i32
    %dma_wait3A_89 = tpu.memref_slice %arg4[%mul3A_2, %dma_wait3A_88] : memref<819200x128xf32, #tpu.memory_space<hbm>> -> memref<128x64xf32, #tpu.memory_space<hbm>>
    %dma_wait3A_90 = arith.constant 0 : i32
    %dma_wait3A_91 = arith.constant 0 : i32
    %dma_wait3A_92 = tpu.memref_slice %arg6[%dma_wait3A_81, %dma_wait3A_90, %dma_wait3A_91] : memref<8x128x64xf32, #tpu.memory_space<vmem>> -> memref<1x128x64xf32, #tpu.memory_space<vmem>>
    %dma_wait3A_93 = tpu.memref_squeeze %dma_wait3A_92 : memref<1x128x64xf32, #tpu.memory_space<vmem>> -> memref<128x64xf32, #tpu.memory_space<vmem>>
    tpu.wait_dma2 semaphore(%arg17 : memref<!tpu.dma_semaphore, #tpu.memory_space<semaphore_mem>>) src(%dma_wait3A_93 : memref<128x64xf32, #tpu.memory_space<vmem>>) dst(%dma_wait3A_89 : memref<128x64xf32, #tpu.memory_space<hbm>>)
    %dma_wait3A_94 = arith.constant 3 : i32
    %dma_wait3A_95 = arith.constant 0 : i32
    %dma_wait3A_96 = arith.constant 0 : i32
    %dma_wait3A_97 = tpu.memref_slice %arg6[%dma_wait3A_94, %dma_wait3A_95, %dma_wait3A_96] : memref<8x128x64xf32, #tpu.memory_space<vmem>> -> memref<1x128x64xf32, #tpu.memory_space<vmem>>
    %dma_wait3A_98 = tpu.memref_squeeze %dma_wait3A_97 : memref<1x128x64xf32, #tpu.memory_space<vmem>> -> memref<128x64xf32, #tpu.memory_space<vmem>>
    %dma_wait3A_99 = arith.constant 0 : i32
    %dma_wait3A_100 = tpu.memref_slice %arg4[%mul3A_2, %dma_wait3A_99] : memref<819200x128xf32, #tpu.memory_space<hbm>> -> memref<128x64xf32, #tpu.memory_space<hbm>>
    %dma_wait3A_101 = arith.constant 0 : i32
    %dma_wait3A_102 = tpu.memref_slice %arg4[%mul3A_2, %dma_wait3A_101] : memref<819200x128xf32, #tpu.memory_space<hbm>> -> memref<128x64xf32, #tpu.memory_space<hbm>>
    %dma_wait3A_103 = arith.constant 0 : i32
    %dma_wait3A_104 = arith.constant 0 : i32
    %dma_wait3A_105 = tpu.memref_slice %arg6[%dma_wait3A_94, %dma_wait3A_103, %dma_wait3A_104] : memref<8x128x64xf32, #tpu.memory_space<vmem>> -> memref<1x128x64xf32, #tpu.memory_space<vmem>>
    %dma_wait3A_106 = tpu.memref_squeeze %dma_wait3A_105 : memref<1x128x64xf32, #tpu.memory_space<vmem>> -> memref<128x64xf32, #tpu.memory_space<vmem>>
    tpu.wait_dma2 semaphore(%arg18 : memref<!tpu.dma_semaphore, #tpu.memory_space<semaphore_mem>>) src(%dma_wait3A_106 : memref<128x64xf32, #tpu.memory_space<vmem>>) dst(%dma_wait3A_102 : memref<128x64xf32, #tpu.memory_space<hbm>>)
    %dma_wait3A_107 = arith.constant 4 : i32
    %dma_wait3A_108 = arith.constant 0 : i32
    %dma_wait3A_109 = arith.constant 0 : i32
    %dma_wait3A_110 = tpu.memref_slice %arg6[%dma_wait3A_107, %dma_wait3A_108, %dma_wait3A_109] : memref<8x128x64xf32, #tpu.memory_space<vmem>> -> memref<1x128x64xf32, #tpu.memory_space<vmem>>
    %dma_wait3A_111 = tpu.memref_squeeze %dma_wait3A_110 : memref<1x128x64xf32, #tpu.memory_space<vmem>> -> memref<128x64xf32, #tpu.memory_space<vmem>>
    %dma_wait3A_112 = arith.constant 0 : i32
    %dma_wait3A_113 = tpu.memref_slice %arg4[%mul3A_2, %dma_wait3A_112] : memref<819200x128xf32, #tpu.memory_space<hbm>> -> memref<128x64xf32, #tpu.memory_space<hbm>>
    %dma_wait3A_114 = arith.constant 0 : i32
    %dma_wait3A_115 = tpu.memref_slice %arg4[%mul3A_2, %dma_wait3A_114] : memref<819200x128xf32, #tpu.memory_space<hbm>> -> memref<128x64xf32, #tpu.memory_space<hbm>>
    %dma_wait3A_116 = arith.constant 0 : i32
    %dma_wait3A_117 = arith.constant 0 : i32
    %dma_wait3A_118 = tpu.memref_slice %arg6[%dma_wait3A_107, %dma_wait3A_116, %dma_wait3A_117] : memref<8x128x64xf32, #tpu.memory_space<vmem>> -> memref<1x128x64xf32, #tpu.memory_space<vmem>>
    %dma_wait3A_119 = tpu.memref_squeeze %dma_wait3A_118 : memref<1x128x64xf32, #tpu.memory_space<vmem>> -> memref<128x64xf32, #tpu.memory_space<vmem>>
    tpu.wait_dma2 semaphore(%arg19 : memref<!tpu.dma_semaphore, #tpu.memory_space<semaphore_mem>>) src(%dma_wait3A_119 : memref<128x64xf32, #tpu.memory_space<vmem>>) dst(%dma_wait3A_115 : memref<128x64xf32, #tpu.memory_space<hbm>>)
    %dma_wait3A_120 = arith.constant 5 : i32
    %dma_wait3A_121 = arith.constant 0 : i32
    %dma_wait3A_122 = arith.constant 0 : i32
    %dma_wait3A_123 = tpu.memref_slice %arg6[%dma_wait3A_120, %dma_wait3A_121, %dma_wait3A_122] : memref<8x128x64xf32, #tpu.memory_space<vmem>> -> memref<1x128x64xf32, #tpu.memory_space<vmem>>
    %dma_wait3A_124 = tpu.memref_squeeze %dma_wait3A_123 : memref<1x128x64xf32, #tpu.memory_space<vmem>> -> memref<128x64xf32, #tpu.memory_space<vmem>>
    %dma_wait3A_125 = arith.constant 0 : i32
    %dma_wait3A_126 = tpu.memref_slice %arg4[%mul3A_2, %dma_wait3A_125] : memref<819200x128xf32, #tpu.memory_space<hbm>> -> memref<128x64xf32, #tpu.memory_space<hbm>>
    %dma_wait3A_127 = arith.constant 0 : i32
    %dma_wait3A_128 = tpu.memref_slice %arg4[%mul3A_2, %dma_wait3A_127] : memref<819200x128xf32, #tpu.memory_space<hbm>> -> memref<128x64xf32, #tpu.memory_space<hbm>>
    %dma_wait3A_129 = arith.constant 0 : i32
    %dma_wait3A_130 = arith.constant 0 : i32
    %dma_wait3A_131 = tpu.memref_slice %arg6[%dma_wait3A_120, %dma_wait3A_129, %dma_wait3A_130] : memref<8x128x64xf32, #tpu.memory_space<vmem>> -> memref<1x128x64xf32, #tpu.memory_space<vmem>>
    %dma_wait3A_132 = tpu.memref_squeeze %dma_wait3A_131 : memref<1x128x64xf32, #tpu.memory_space<vmem>> -> memref<128x64xf32, #tpu.memory_space<vmem>>
    tpu.wait_dma2 semaphore(%arg20 : memref<!tpu.dma_semaphore, #tpu.memory_space<semaphore_mem>>) src(%dma_wait3A_132 : memref<128x64xf32, #tpu.memory_space<vmem>>) dst(%dma_wait3A_128 : memref<128x64xf32, #tpu.memory_space<hbm>>)
    %dma_wait3A_133 = arith.constant 6 : i32
    %dma_wait3A_134 = arith.constant 0 : i32
    %dma_wait3A_135 = arith.constant 0 : i32
    %dma_wait3A_136 = tpu.memref_slice %arg6[%dma_wait3A_133, %dma_wait3A_134, %dma_wait3A_135] : memref<8x128x64xf32, #tpu.memory_space<vmem>> -> memref<1x128x64xf32, #tpu.memory_space<vmem>>
    %dma_wait3A_137 = tpu.memref_squeeze %dma_wait3A_136 : memref<1x128x64xf32, #tpu.memory_space<vmem>> -> memref<128x64xf32, #tpu.memory_space<vmem>>
    %dma_wait3A_138 = arith.constant 0 : i32
    %dma_wait3A_139 = tpu.memref_slice %arg4[%mul3A_2, %dma_wait3A_138] : memref<819200x128xf32, #tpu.memory_space<hbm>> -> memref<128x64xf32, #tpu.memory_space<hbm>>
    %dma_wait3A_140 = arith.constant 0 : i32
    %dma_wait3A_141 = tpu.memref_slice %arg4[%mul3A_2, %dma_wait3A_140] : memref<819200x128xf32, #tpu.memory_space<hbm>> -> memref<128x64xf32, #tpu.memory_space<hbm>>
    %dma_wait3A_142 = arith.constant 0 : i32
    %dma_wait3A_143 = arith.constant 0 : i32
    %dma_wait3A_144 = tpu.memref_slice %arg6[%dma_wait3A_133, %dma_wait3A_142, %dma_wait3A_143] : memref<8x128x64xf32, #tpu.memory_space<vmem>> -> memref<1x128x64xf32, #tpu.memory_space<vmem>>
    %dma_wait3A_145 = tpu.memref_squeeze %dma_wait3A_144 : memref<1x128x64xf32, #tpu.memory_space<vmem>> -> memref<128x64xf32, #tpu.memory_space<vmem>>
    tpu.wait_dma2 semaphore(%arg21 : memref<!tpu.dma_semaphore, #tpu.memory_space<semaphore_mem>>) src(%dma_wait3A_145 : memref<128x64xf32, #tpu.memory_space<vmem>>) dst(%dma_wait3A_141 : memref<128x64xf32, #tpu.memory_space<hbm>>)
    %dma_wait3A_146 = arith.constant 7 : i32
    %dma_wait3A_147 = arith.constant 0 : i32
    %dma_wait3A_148 = arith.constant 0 : i32
    %dma_wait3A_149 = tpu.memref_slice %arg6[%dma_wait3A_146, %dma_wait3A_147, %dma_wait3A_148] : memref<8x128x64xf32, #tpu.memory_space<vmem>> -> memref<1x128x64xf32, #tpu.memory_space<vmem>>
    %dma_wait3A_150 = tpu.memref_squeeze %dma_wait3A_149 : memref<1x128x64xf32, #tpu.memory_space<vmem>> -> memref<128x64xf32, #tpu.memory_space<vmem>>
    %dma_wait3A_151 = arith.constant 0 : i32
    %dma_wait3A_152 = tpu.memref_slice %arg4[%mul3A_2, %dma_wait3A_151] : memref<819200x128xf32, #tpu.memory_space<hbm>> -> memref<128x64xf32, #tpu.memory_space<hbm>>
    %dma_wait3A_153 = arith.constant 0 : i32
    %dma_wait3A_154 = tpu.memref_slice %arg4[%mul3A_2, %dma_wait3A_153] : memref<819200x128xf32, #tpu.memory_space<hbm>> -> memref<128x64xf32, #tpu.memory_space<hbm>>
    %dma_wait3A_155 = arith.constant 0 : i32
    %dma_wait3A_156 = arith.constant 0 : i32
    %dma_wait3A_157 = tpu.memref_slice %arg6[%dma_wait3A_146, %dma_wait3A_155, %dma_wait3A_156] : memref<8x128x64xf32, #tpu.memory_space<vmem>> -> memref<1x128x64xf32, #tpu.memory_space<vmem>>
    %dma_wait3A_158 = tpu.memref_squeeze %dma_wait3A_157 : memref<1x128x64xf32, #tpu.memory_space<vmem>> -> memref<128x64xf32, #tpu.memory_space<vmem>>
    tpu.wait_dma2 semaphore(%arg22 : memref<!tpu.dma_semaphore, #tpu.memory_space<semaphore_mem>>) src(%dma_wait3A_158 : memref<128x64xf32, #tpu.memory_space<vmem>>) dst(%dma_wait3A_154 : memref<128x64xf32, #tpu.memory_space<hbm>>)
    return
  }
}

</mosaic_0001>

<sc_bundles>
// kernel: _sc_gather.3.cloned.1.call-start
scs
__scs_entry_jumppad:
0x0: {  	(pc) =	sbr.rel $0x88, $3  }
0x1: {  	(tag) =	ssettag $0x0;
	lr =	simm.s32 $0x1  }
0x2: {  	[smem:$0x3F9F] =	sst lr;
	_ =	strace $0xD0000000  }
0x3: {  	_ = 	snop  }
0x4: {  	_ = 	snop  }
0x5: {  	_ = 	snop  }
0x6: {  	_ = 	snop  }
0x7: {  	_ = 	snop  }
__scs_overlays_trampoline_lowered:
0x8: {  	[smem:$0x3FAE] =	sst s0  }
0x9: {  	[smem:$0x3FAF] =	sst s1  }
0xa: {  	[smem:$0x3FB0] =	sst s2  }
0xb: {  	[smem:$0x3FB1] =	sst s3  }
0xc: {  	[smem:$0x3FB2] =	sst s4  }
0xd: {  	[smem:$0x3FB3] =	sst s5  }
0xe: {  	[smem:$0x3FB4] =	sst s6  }
0xf: {  	[smem:$0x3FB5] =	sst s7  }
0x10: {  	[smem:$0x3FB6] =	sst s8  }
0x11: {  	[smem:$0x3FB7] =	sst s9;
	s0 =	simm.s32 @!p0 $0x0  }
0x12: {  	s1 =	sld [smem:$0x3F9D];
	s0 =	simm.s32 @p0 $0x1  }
0x13: {  	[smem:$0x3FB8] =	sst s0;
	s0 =	simm.s32 @!p1 $0x0  }
0x14: {  	s2 =	sld [smem:$0x3F9C];
	s0 =	simm.s32 @p1 $0x1  }
0x15: {  	[smem:$0x3FB9] =	sst s0;
	s0 =	simm.s32 @!p2 $0x0  }
0x16: {  	s3 =	sld [smem:$0x3FDB];
	s0 =	simm.s32 @p2 $0x1  }
0x17: {  	s4 =	simm.s32 $0x1BF5;
	[smem:$0x3FBB] =	sst s0  }
0x18: {  	s0 =	sld [smem:$0x3F9E];
	_ =	swait.ge [sflag:s4], $0x0  }
0x19: {  	s7 =	sld [smem:$0x3F9F]  }
0x1a: {  	s8 =	sadd.s32 $0xFFFFE003, lr  }
0x1b: {  	s9 =	sadd.s32 $0xFFFFFEF7, lr;
	s5 =	simm.s32 $0xFFFFFFFF;
	p2 =	slt.u32 s8, $0xFFFFF086  }
0x1c: {  	p1 =	slt.u32 s9, $0xF7A;
	s5 =	simm.s32 @!p2 $0x0  }
0x1d: {  	s5 =	simm.s32 @p1 $0x1;
	p0 =	seq.s32 s7, s2  }
0x1e: {  	s7 =	smul.u32 @!p0 $0xF7A, s2;
	p2 =	seq.s32 @!p0 s5, $0x0  }
0x1f: {  	s9 =	smul.u32 $0xF7A, s1;
	s8 =	simm.s32 @!p0 $0x1BF5;
	p2 =	por !p2, p0  }
0x20: {  	[sflag:s8] =	ssyncset.s32 @!p0 $0xFFFFF086;
	s6 =	sadd.s32 @!p0 s3, s7;
	s7 =	simm.s32 @!p0 $0x108  }
0x21: {  	s3 =	sadd.s32 s3, s9;
	s6 =	sadd.s32 @!p0 $0x88, s6;
	s7 =	simm.s32 @p2 $0x1082  }
0x22: {  	[simem:s7], [sflag:s8] =	dma.local @!p0 [hbm:s6], $0xF7A  }
0x23: {  	s9 =	sor.u32 $0xD0000000, s2;
	s6 =	simm.s32 $0x108;
	_ =	swait.ge @!p0 [sflag:s8], $0x0  }
0x24: {  	s3 =	sadd.s32 $0x88, s3;
	s6 =	simm.s32 @!p1 $0x1082;
	[sflag:s4] =	ssyncset.s32 $0xFFFFF086  }
0x25: {  	[simem:s6], [sflag:s4] =	dma.local [hbm:s3], $0xF7A  }
0x26: {  	[smem:$0x3F9F] =	sst s1;
	(tag) =	ssettag s2;
	_ =	strace s9  }
0x27: {  	s1 =	sld [smem:$0x3FAF]  }
0x28: {  	s2 =	sld [smem:$0x3FB0]  }
0x29: {  	s4 =	sld [smem:$0x3FB2]  }
0x2a: {  	p0 =	seq.s32 s5, $0x0;
	s5 =	sld [smem:$0x3FB3]  }
0x2b: {  	s6 =	sld [smem:$0x3FB4]  }
0x2c: {  	s7 =	sld [smem:$0x3FB5]  }
0x2d: {  	s3 =	simm.s32 $0x108;
	s8 =	sld [smem:$0x3FB6]  }
0x2e: {  	s3 =	simm.s32 @!p0 $0x1082;
	s9 =	sld [smem:$0x3FB7]  }
0x2f: {  	lr =	sadd.s32 s0, s3;
	s0 =	sld [smem:$0x3FAE]  }
0x30: {  	s3 =	sld [smem:$0x3FB1]  }
0x31: {  	[smem:$0x3FBA] =	sst s10  }
0x32: {  	s10 =	sld [smem:$0x3FB8];
	_ =	sdelay $0x3  }
0x33: {  	p0 =	seq.s32 s10, $0x1;
	s10 =	sld [smem:$0x3FBA];
	_ =	sdelay $0x3  }
0x34: {  	[smem:$0x3FBA] =	sst s10  }
0x35: {  	s10 =	sld [smem:$0x3FB9];
	_ =	sdelay $0x3  }
0x36: {  	p1 =	seq.s32 s10, $0x1;
	s10 =	sld [smem:$0x3FBA];
	_ =	sdelay $0x3  }
0x37: {  	[smem:$0x3FBA] =	sst s10  }
0x38: {  	s10 =	sld [smem:$0x3FBB]  }
0x39: {  	_ = 	snop;
	(pc) =	sbr.ind lr, $3  }
0x3a: {  	_ = 	snop  }
0x3b: {  	_ = 	snop  }
0x3c: {  	p2 =	seq.s32 s10, $0x1;
	s10 =	sld [smem:$0x3FBA]  }
0x3d: {  	_ =	shalt  }
0x3e: {  	_ =	shalt  }
0x3f: {  	_ =	shalt  }
0x40: {  	_ =	shalt  }
0x41: {  	_ =	shalt  }
0x42: {  	_ =	shalt  }
0x43: {  	_ =	shalt  }
0x44: {  	_ =	shalt  }
0x45: {  	_ =	shalt  }
0x46: {  	_ =	shalt  }
0x47: {  	_ =	shalt  }
0x48: {  	_ =	shalt  }
0x49: {  	_ =	shalt  }
0x4a: {  	_ =	shalt  }
0x4b: {  	_ =	shalt  }
0x4c: {  	_ =	shalt  }
0x4d: {  	_ =	shalt  }
0x4e: {  	_ =	shalt  }
0x4f: {  	_ =	shalt  }
0x50: {  	_ =	shalt  }
0x51: {  	_ =	shalt  }
0x52: {  	_ =	shalt  }
0x53: {  	_ =	shalt  }
0x54: {  	_ =	shalt  }
0x55: {  	_ =	shalt  }
0x56: {  	_ =	shalt  }
0x57: {  	_ =	shalt  }
0x58: {  	_ =	shalt  }
0x59: {  	_ =	shalt  }
0x5a: {  	_ =	shalt  }
0x5b: {  	_ =	shalt  }
0x5c: {  	_ =	shalt  }
0x5d: {  	_ =	shalt  }
0x5e: {  	_ =	shalt  }
0x5f: {  	_ =	shalt  }
0x60: {  	_ =	shalt  }
0x61: {  	_ =	shalt  }
0x62: {  	_ =	shalt  }
0x63: {  	_ =	shalt  }
0x64: {  	_ =	shalt  }
0x65: {  	_ =	shalt  }
0x66: {  	_ =	shalt  }
0x67: {  	_ =	shalt  }
0x68: {  	_ =	shalt  }
0x69: {  	_ =	shalt  }
0x6a: {  	_ =	shalt  }
0x6b: {  	_ =	shalt  }
0x6c: {  	_ =	shalt  }
0x6d: {  	_ =	shalt  }
0x6e: {  	_ =	shalt  }
0x6f: {  	_ =	shalt  }
0x70: {  	_ =	shalt  }
0x71: {  	_ =	shalt  }
0x72: {  	_ =	shalt  }
0x73: {  	_ =	shalt  }
0x74: {  	_ =	shalt  }
0x75: {  	_ =	shalt  }
0x76: {  	_ =	shalt  }
0x77: {  	_ =	shalt  }
0x78: {  	_ =	shalt  }
0x79: {  	_ =	shalt  }
0x7a: {  	_ =	shalt  }
0x7b: {  	_ =	shalt  }
0x7c: {  	_ =	shalt  }
0x7d: {  	_ =	shalt  }
0x7e: {  	_ =	shalt  }
0x7f: {  	_ =	shalt  }
0x80: {  	_ =	shalt  }
0x81: {  	_ =	shalt  }
0x82: {  	_ =	shalt  }
0x83: {  	_ =	shalt  }
0x84: {  	_ =	shalt  }
0x85: {  	_ =	shalt  }
0x86: {  	_ =	shalt  }
0x87: {  	_ =	shalt  }
.Lfunc_end0:
.L_simem_size_0:
called_computation_lowered:
.L_overlay_start_0:
0x88: {  	s2 =	sld [smem:$0x3FD9]  }
0x89: {  	s3 =	sld [smem:$0x3FFE];
	_ =	sdelay $0x1  }
0x8a: {  	s1 =	srdreg.scid  }
0x8b: {  	s0 =	sand.u32 $0x1, s1  }
0x8c: {  	s17 =	sshll.u32 s0, $0xA;
	s2 =	sadd.s32 s3, s2  }
0x8d: {  	s2 =	sadd.s32 s2, s17  }
0x8e: {  	[smem:$0x3FC6] =	sst s2  }
0x8f: {  	_ = 	snop  }
0x90: {  	s2 =	sld [smem:$0x3FC8]  }
0x91: {  	s18 =	sld [smem:$0x3FD0];
	(tm) =	ssettm $0x1  }
0x92: {  	s4 =	sld [smem:$0x3FFB];
	_ =	sdelay $0x3  }
0x93: {  	_ =	strace s4  }
0x94: {  	s4 =	sld [smem:$0x3FFC];
	_ =	sdelay $0x3  }
0x95: {  	_ =	strace s4  }
0x96: {  	s4 =	sld [smem:$0x3FFD];
	_ =	sdelay $0x3  }
0x97: {  	_ =	strace s4  }
0x98: {  	_ =	strace $0x8FFFFFFF  }
0x99: {  	s19 =	sld [smem:$0x3FDB];
	_ =	sdelay $0x1  }
0x9a: {  	s5 =	simm.s32 $_scs_section_size  }
0x9b: {  	s6 =	simm.s32 $_size__tile_overlayer_lowered;
	s7 =	simm.s32 $_tile_overlayer_lowered  }
0x9c: {  	s22 =	simm.s32 $0x1BFF;
	s21 =	sshll.u32 s7, $0x1;
	s4 =	sadd.s32 s5, s19  }
0x9d: {  	s8 =	simm.s32 $0x0;
	s20 =	sshll.u32 s6, $0x1;
	s6 =	sadd.s32 s21, s4  }
0x9e: {  	[timem:s8], [sflag:s22] =	dma.local [hbm:s6], s20  }
0x9f: {  	_ =	swait.ge [sflag:s22], s20  }
0xa0: {  	s5 =	ssub.s32 $0x0, s20;
	[sflag:s22] =	ssyncset.done $0x0  }
0xa1: {  	[sflag:s22] =	ssyncadd.s32 s5;
	_ =	sdelay $0x1  }
0xa2: {  	s23 =	simm.s32 $0x1B8B  }
0xa3: {  	_ =	swait.ge [sflag:s23], $0x1  }
0xa4: {  	[sflag:s23] =	ssyncset.done $0x0  }
0xa5: {  	s25 =	simm.s32 $0x1B8E;
	s24 =	sld [smem:$0x3FFE];
	[sflag:s23] =	ssyncadd.s32 $0xFFFFFFFF  }
0xa6: {  	s26 =	simm.s32 $execute0_lowered;
	[smem:$0x3FD2] =	sst s25  }
0xa7: {  	s6 =	sshll.u32 s26, $0x1;
	_ =	strace $0x80000046;
	[dreg:$0x1] =	wrdreg $0xFFFFFFFF  }
0xa8: {  	s28 =	simm.s32 $_size_execute0_lowered;
	s4 =	sadd.s32 s4, s6;
	[dreg:$0x0] =	wrdreg $0x0  }
0xa9: {  	s6 =	sshll.u32 s28, $0x1;
	[dreg:$0x2] =	wrdreg s4  }
0xaa: {  	[dreg:$0x3] =	wrdreg s6  }
0xab: {  	[dreg:$0x4] =	wrdreg $0xC0  }
0xac: {  	_ =	task [dreg:s8], $0x5FFFF  }
0xad: {  	[dreg:$0x1] =	wrdreg $0xFFFFFFFF  }
0xae: {  	[dreg:$0x0] =	wrdreg $0x60  }
0xaf: {  	[dreg:$0x2] =	wrdreg s24  }
0xb0: {  	[dreg:$0x3] =	wrdreg s2  }
0xb1: {  	[dreg:$0x4] =	wrdreg s18  }
0xb2: {  	[dreg:$0x5] =	wrdreg $0x9  }
0xb3: {  	_ =	task.clear_ibuf [dreg:s8], $0x6FFFF;
	_ =	strace $0x90000046  }
0xb4: {  	s29 =	simm.s32 $0x9;
	_ =	strace $0x80000048  }
0xb5: {  	_ =	swait.ge [sflag:s29], $0x1  }
0xb6: {  	[sflag:s29] =	ssyncadd.s32 $0xFFFFFFFF  }
0xb7: {  	_ =	strace $0x90000048  }
0xb8: {  	_ =	sfence  }
0xb9: {  	s30 =	sld [smem:$0x0];
	_ =	sdelay $0x2  }
0xba: {  	s31 =	sshll.u32 s1, $0xD;
	s1 =	sshrl.u32 s1, $0x2  }
0xbb: {  	s3 =	sand.u32 $0x4000, s31;
	s1 =	sadd.s32 s1, s30  }
0xbc: {  	s0 =	sor.u32 s3, s0;
	s1 =	sshll.u32 s1, $0x11  }
0xbd: {  	s0 =	sor.u32 s1, s0  }
0xbe: {  	s0 =	sadd.s32 $0x8F2B, s0  }
0xbf: {  	[sflag:s0] =	ssyncadd.remote.s32 $0x1  }
0xc0: {  	_ =	sfence.sel $0xFFFF  }
0xc1: {  	[dreg:$0x0] =	wrdreg $0xFFFFFFFF;
	(pc) =	sbr.abs _section_cstart, $3  }
0xc2: {  	[dreg:$0x1] =	wrdreg $0xFFFFFFFF  }
0xc3: {  	_ =	task.clear_ibuf [dreg:s8], $0x2FFFF;
	_ =	strace $0x9FFFFFFF  }
0xc4: {  	(tm) =	ssettm $0x7FFFFFFF  }
0xc5: {  	_ =	shalt  }
tec
execute0_lowered:
.L_overlay_start_1:
0x0: {  	(tag) =	ssettag $0x1  }
0x1: {  	s0 =	rddreg [dreg:$0x0];
	s1 =	srdreg.scid  }
0x2: {  	s9 =	stileid.u32;
	s2 =	rddreg [dreg:$0x1]  }
0x3: {  	s30 =	rddreg [dreg:$0x2];
	s4 =	simm.s32 $0x0;
	s10 =	simm.s32 $0x8400  }
0x4: {  	s12 =	simm.s32 $0xA400;
	s14 =	simm.s32 $0xC400;
	s15 =	simm.s32 $0xE400  }
0x5: {  	s16 =	simm.s32 $0x1;
	s28 =	simm.s32 $0x8;
	s3 =	smul.u32 $0x640000, s9  }
0x6: {  	s1 =	sand.u32 $0x1, s1;
	s6 =	smul.u32 $0xC800, s9;
	[smem:$0x7FF] =	sst s4  }
0x7: {  	s4 =	sadd.s32 $0x1E84C00, s0;
	s19 =	sshll.u32 s9, $0x1;
	s5 =	smul.u32 $0x320000, s1  }
0x8: {  	s9 =	simm.s32 $0x6400;
	s7 =	ssub.s32 $0x2, s1;
	s8 =	smul.u32 $0x6400, s1  }
0x9: {  	_ =	strace $0x80000047;
	s1 =	sor.u32 s1, s19;
	s17 =	sshrl.u32 s7, $0x1  }
0xa: {  	s19 =	simm.s32 $0x2;
	s1 =	smul.u32 $0x6400, s1;
	s0 =	ssub.s32 s7, s17  }
0xb: {  	s3 =	sadd.s32 s5, s3;
	s18 =	sadd.s32 s8, s6;
	s8 =	simm.s32 $0x80  }
0xc: {  	s17 =	simm.s32 $0x40;
	s20 =	sshrl.u32 s3, $0x3;
	s5 =	sshll.u32 s18, $0x4  }
0xd: {  	s23 =	sor.u32 $0x1C000, s3;
	s0 =	smax.u32 s0, $0x1;
	[dreg:$0x4] =	wrdreg s20  }
0xe: {  	s25 =	sor.u32 $0x18000, s3;
	s21 =	sor.u32 $0x1800, s5;
	[dreg:$0xd] =	wrdreg s0  }
0xf: {  	s29 =	sor.u32 $0x14000, s3;
	s22 =	sor.u32 $0x1000, s5;
	[dreg:$0x5] =	wrdreg s21  }
0x10: {  	s3 =	sor.u32 $0x10000, s3;
	s5 =	sor.u32 $0x800, s5;
	[dreg:$0x6] =	wrdreg s22  }
0x11: {  	s1 =	sshrl.u32 s1, $0x3;
	s24 =	sshrl.u32 s23, $0x3;
	[dreg:$0x7] =	wrdreg s5  }
0x12: {  	s18 =	simm.s32 $0x10400;
	s26 =	sshrl.u32 s25, $0x3;
	[dreg:$0x8] =	wrdreg s24  }
0x13: {  	s31 =	sshrl.u32 s29, $0x3;
	s3 =	sshrl.u32 s3, $0x3;
	[dreg:$0x9] =	wrdreg s26  }
0x14: {  	s1 =	sadd.s32 s2, s1;
	s20 =	simm.s32 $0x12400;
	[dreg:$0xa] =	wrdreg s31  }
0x15: {  	s23 =	simm.s32 $0x4;
	s25 =	simm.s32 $0x6;
	[dreg:$0xc] =	wrdreg s1  }
0x16: {  	[dreg:$0xb] =	wrdreg s3;
	s21 =	simm.s32 $0x3;
	s22 =	simm.s32 $0x14400  }
0x17: {  	s24 =	simm.s32 $0x5;
	s26 =	simm.s32 $0x7;
	s5 =	simm.s32 $0x0  }
.LBB2_1:
0x18: {  	s0 =	simm.s32 $0x0;
	s1 =	rddreg [dreg:$0xc];
	s3 =	simm.s32 $0x11  }
0x19: {  	[tilespmem:s0], [sflag:$0x11] =	stream.linear.gather [hbm4b:s1+s0], $0x6400, $0x38;
	[tilespmem:$0x16400] =	vst v63  }
0x1a: {  	_ =	swait.ge [sflag:s3], $0x6400  }
0x1b: {  	[sflag:s3] =	ssyncset.done $0x0  }
0x1c: {  	[sflag:s3] =	ssyncadd.s32 $0xFFFF9C00  }
0x1d: {  	[tilespmem:s9], [sflag:$0x1] =	stream.indirect.gather [hbm4b:s4+s8], $0x40, s0, s8, $0xb8;
	[tilespmem:$0x16400] =	vst v63  }
0x1e: {  	p0 =	por $0x1, $0x1  }
0x1f: {  	[tilespmem:s10], [sflag:$0x2] =	stream.indirect.gather [hbm4b:s4+s8], $0x40, s8, s8, $0xb8;
	[tilespmem:$0x16400] =	vst v63  }
0x20: {  	s6 =	simm.s32 $0x100;
	p0 =	por p0, p0  }
0x21: {  	[tilespmem:s12], [sflag:$0x3] =	stream.indirect.gather [hbm4b:s4+s8], $0x40, s6, s8, $0xb8;
	[tilespmem:$0x16400] =	vst v63  }
0x22: {  	s7 =	simm.s32 $0x180;
	s0 =	simm.s32 @!p0 $0xD  }
0x23: {  	[tilespmem:s14], [sflag:$0x4] =	stream.indirect.gather [hbm4b:s4+s8], $0x40, s7, s8, $0xb8;
	[tilespmem:$0x16400] =	vst v63  }
0x24: {  	_ =	swait.ge @!p0 [sflag:s0], $0x2000  }
0x25: {  	[sflag:s0] =	ssyncset.done @!p0 $0x0  }
0x26: {  	s11 =	simm.s32 $0x200;
	[sflag:s0] =	ssyncadd.s32 @!p0 $0xFFFFE000  }
0x27: {  	[tilespmem:s15], [sflag:$0x5] =	stream.indirect.gather [hbm4b:s4+s8], $0x40, s11, s8, $0xb8;
	[tilespmem:$0x16400] =	vst v63  }
0x28: {  	_ =	swait.ge [sflag:s16], $0x2000  }
0x29: {  	s13 =	rddreg [dreg:$0x4];
	[sflag:s16] =	ssyncset.done $0x0  }
0x2a: {  	s1 =	simm.s32 @!p0 $0xE;
	[sflag:s16] =	ssyncadd.s32 $0xFFFFE000;
	s0 =	sadd.s32 s30, s13  }
0x2b: {  	[hbm4b:s0+s17] =	stream.strided.scatter [tilespmem:s9], [sflag:$0x9], $0x2000, s8, s17, $0x38;
	[tilespmem:$0x16400] =	vst v63  }
0x2c: {  	_ =	swait.ge @!p0 [sflag:s1], $0x2000  }
0x2d: {  	[sflag:s1] =	ssyncset.done @!p0 $0x0  }
0x2e: {  	s31 =	simm.s32 $0x280;
	[sflag:s1] =	ssyncadd.s32 @!p0 $0xFFFFE000  }
0x2f: {  	[tilespmem:s18], [sflag:$0x6] =	stream.indirect.gather [hbm4b:s4+s8], $0x40, s31, s8, $0xb8;
	[tilespmem:$0x16400] =	vst v63  }
0x30: {  	_ =	swait.ge [sflag:s19], $0x2000  }
0x31: {  	s1 =	rddreg [dreg:$0x7];
	[sflag:s19] =	ssyncset.done $0x0  }
0x32: {  	[sflag:s19] =	ssyncadd.s32 $0xFFFFE000;
	s0 =	sadd.s32 s30, s1;
	s1 =	simm.s32 @!p0 $0xF  }
0x33: {  	[hbm4b:s0+s17] =	stream.strided.scatter [tilespmem:s10], [sflag:$0xA], $0x2000, s8, s17, $0x38;
	[tilespmem:$0x16400] =	vst v63  }
0x34: {  	_ =	swait.ge @!p0 [sflag:s1], $0x2000  }
0x35: {  	[sflag:s1] =	ssyncset.done @!p0 $0x0  }
0x36: {  	s2 =	simm.s32 $0x300;
	[sflag:s1] =	ssyncadd.s32 @!p0 $0xFFFFE000  }
0x37: {  	[tilespmem:s20], [sflag:$0x7] =	stream.indirect.gather [hbm4b:s4+s8], $0x40, s2, s8, $0xb8;
	[tilespmem:$0x16400] =	vst v63  }
0x38: {  	_ =	swait.ge [sflag:s21], $0x2000  }
0x39: {  	s3 =	rddreg [dreg:$0x6];
	[sflag:s21] =	ssyncset.done $0x0  }
0x3a: {  	s1 =	simm.s32 @!p0 $0x10;
	[sflag:s21] =	ssyncadd.s32 $0xFFFFE000;
	s0 =	sadd.s32 s30, s3  }
0x3b: {  	[hbm4b:s0+s17] =	stream.strided.scatter [tilespmem:s12], [sflag:$0xB], $0x2000, s8, s17, $0x38;
	[tilespmem:$0x16400] =	vst v63  }
0x3c: {  	_ =	swait.ge @!p0 [sflag:s1], $0x2000  }
0x3d: {  	[sflag:s1] =	ssyncset.done @!p0 $0x0  }
0x3e: {  	s6 =	simm.s32 $0x380;
	[sflag:s1] =	ssyncadd.s32 @!p0 $0xFFFFE000  }
0x3f: {  	[tilespmem:s22], [sflag:$0x8] =	stream.indirect.gather [hbm4b:s4+s8], $0x40, s6, s8, $0xb8;
	[tilespmem:$0x16400] =	vst v63  }
0x40: {  	_ =	swait.ge [sflag:s23], $0x2000  }
0x41: {  	s7 =	rddreg [dreg:$0x5];
	[sflag:s23] =	ssyncset.done $0x0  }
0x42: {  	p0 =	por $0x0, $0x0;
	[sflag:s23] =	ssyncadd.s32 $0xFFFFE000;
	s0 =	sadd.s32 s30, s7  }
0x43: {  	[hbm4b:s0+s17] =	stream.strided.scatter [tilespmem:s14], [sflag:$0xC], $0x2000, s8, s17, $0x38;
	[tilespmem:$0x16400] =	vst v63  }
0x44: {  	s0 =	simm.s32 @!p0 $0x9  }
0x45: {  	_ =	swait.ge @!p0 [sflag:s0], $0x2000  }
0x46: {  	s1 =	simm.s32 @!p0 $0x400;
	[sflag:s0] =	ssyncset.done @!p0 $0x0  }
0x47: {  	s2 =	simm.s32 @!p0 $0x80;
	s6 =	simm.s32 @!p0 $0x6400;
	[sflag:s0] =	ssyncadd.s32 @!p0 $0xFFFFE000  }
0x48: {  	[tilespmem:s6], [sflag:$0x1] =	stream.indirect.gather @!p0 [hbm4b:s4+s2], $0x40, s1, s2, $0xb8;
	[tilespmem:$0x16400] =	vst v63  }
0x49: {  	_ =	swait.ge [sflag:s24], $0x2000  }
0x4a: {  	s11 =	rddreg [dreg:$0xb];
	[sflag:s24] =	ssyncset.done $0x0  }
0x4b: {  	s1 =	simm.s32 @!p0 $0xA;
	[sflag:s24] =	ssyncadd.s32 $0xFFFFE000;
	s0 =	sadd.s32 s30, s11  }
0x4c: {  	[hbm4b:s0+s17] =	stream.strided.scatter [tilespmem:s15], [sflag:$0xD], $0x2000, s8, s17, $0x38;
	[tilespmem:$0x16400] =	vst v63  }
0x4d: {  	_ =	swait.ge @!p0 [sflag:s1], $0x2000  }
0x4e: {  	[sflag:s1] =	ssyncset.done @!p0 $0x0  }
0x4f: {  	s6 =	simm.s32 @!p0 $0x8400;
	s0 =	simm.s32 @!p0 $0x480;
	[sflag:s1] =	ssyncadd.s32 @!p0 $0xFFFFE000  }
0x50: {  	[tilespmem:s6], [sflag:$0x2] =	stream.indirect.gather @!p0 [hbm4b:s4+s2], $0x40, s0, s2, $0xb8;
	[tilespmem:$0x16400] =	vst v63  }
0x51: {  	_ =	swait.ge [sflag:s25], $0x2000  }
0x52: {  	s13 =	rddreg [dreg:$0xa];
	[sflag:s25] =	ssyncset.done $0x0  }
0x53: {  	s1 =	simm.s32 @!p0 $0xB;
	[sflag:s25] =	ssyncadd.s32 $0xFFFFE000;
	s0 =	sadd.s32 s30, s13  }
0x54: {  	[hbm4b:s0+s17] =	stream.strided.scatter [tilespmem:s18], [sflag:$0xE], $0x2000, s8, s17, $0x38;
	[tilespmem:$0x16400] =	vst v63  }
0x55: {  	_ =	swait.ge @!p0 [sflag:s1], $0x2000  }
0x56: {  	[sflag:s1] =	ssyncset.done @!p0 $0x0  }
0x57: {  	s6 =	simm.s32 @!p0 $0xA400;
	s0 =	simm.s32 @!p0 $0x500;
	[sflag:s1] =	ssyncadd.s32 @!p0 $0xFFFFE000  }
0x58: {  	[tilespmem:s6], [sflag:$0x3] =	stream.indirect.gather @!p0 [hbm4b:s4+s2], $0x40, s0, s2, $0xb8;
	[tilespmem:$0x16400] =	vst v63  }
0x59: {  	_ =	swait.ge [sflag:s26], $0x2000  }
0x5a: {  	s31 =	rddreg [dreg:$0x9];
	[sflag:s26] =	ssyncset.done $0x0  }
0x5b: {  	s1 =	simm.s32 @!p0 $0xC;
	[sflag:s26] =	ssyncadd.s32 $0xFFFFE000;
	s0 =	sadd.s32 s30, s31  }
0x5c: {  	[hbm4b:s0+s17] =	stream.strided.scatter [tilespmem:s20], [sflag:$0xF], $0x2000, s8, s17, $0x38;
	[tilespmem:$0x16400] =	vst v63  }
0x5d: {  	_ =	swait.ge @!p0 [sflag:s1], $0x2000  }
0x5e: {  	p6 =	por $0x0, $0x0;
	s29 =	simm.s32 $0x2000;
	[sflag:s1] =	ssyncset.done @!p0 $0x0  }
0x5f: {  	s6 =	simm.s32 @!p0 $0xC400;
	s0 =	simm.s32 @!p0 $0x580;
	[sflag:s1] =	ssyncadd.s32 @!p0 $0xFFFFE000  }
0x60: {  	[tilespmem:s6], [sflag:$0x4] =	stream.indirect.gather @!p0 [hbm4b:s4+s2], $0x40, s0, s2, $0xb8;
	[tilespmem:$0x16400] =	vst v63  }
0x61: {  	s7 =	simm.s32 $0x1000;
	p0 =	por p6, p6;
	_ =	swait.ge [sflag:s28], $0x2000  }
0x62: {  	s6 =	sadd.s32 $0x4000, s30;
	s2 =	smov.u32 s30;
	[sflag:s28] =	ssyncset.done $0x0  }
0x63: {  	s0 =	simm.s32 @!p0 $0xD;
	s1 =	rddreg [dreg:$0x8];
	[sflag:s28] =	ssyncadd.s32 $0xFFFFE000  }
.LBB2_2:
0x64: {  	s1 =	sadd.s32 s2, s1  }
0x65: {  	[hbm4b:s1+s17] =	stream.strided.scatter [tilespmem:s22], [sflag:$0x10], $0x2000, s8, s17, $0x38;
	[tilespmem:$0x16400] =	vst v63  }
0x66: {  	_ =	swait.ge @!p0 [sflag:s0], $0x2000  }
0x67: {  	s1 =	sshra.s32 s7, $0x2;
	[sflag:s0] =	ssyncset.done @!p0 $0x0  }
0x68: {  	s3 =	sadd.s32 $0x200, s1;
	[sflag:s0] =	ssyncadd.s32 @!p0 $0xFFFFE000  }
0x69: {  	[tilespmem:s15], [sflag:$0x5] =	stream.indirect.gather [hbm4b:s4+s8], $0x40, s3, s8, $0xb8;
	[tilespmem:$0x16400] =	vst v63  }
0x6a: {  	_ =	swait.ge [sflag:s16], $0x2000  }
0x6b: {  	s11 =	rddreg [dreg:$0x4];
	[sflag:s16] =	ssyncset.done $0x0  }
0x6c: {  	[sflag:s16] =	ssyncadd.s32 $0xFFFFE000;
	s0 =	sadd.s32 s6, s11;
	s11 =	simm.s32 @!p0 $0xE  }
0x6d: {  	[hbm4b:s0+s17] =	stream.strided.scatter [tilespmem:s9], [sflag:$0x9], $0x2000, s8, s17, $0x38;
	[tilespmem:$0x16400] =	vst v63  }
0x6e: {  	_ =	swait.ge @!p0 [sflag:s11], $0x2000  }
0x6f: {  	[sflag:s11] =	ssyncset.done @!p0 $0x0  }
0x70: {  	s13 =	sadd.s32 $0x280, s1;
	[sflag:s11] =	ssyncadd.s32 @!p0 $0xFFFFE000  }
0x71: {  	[tilespmem:s18], [sflag:$0x6] =	stream.indirect.gather [hbm4b:s4+s8], $0x40, s13, s8, $0xb8;
	[tilespmem:$0x16400] =	vst v63  }
0x72: {  	_ =	swait.ge [sflag:s19], $0x2000  }
0x73: {  	s3 =	rddreg [dreg:$0x7];
	[sflag:s19] =	ssyncset.done $0x0  }
0x74: {  	s11 =	simm.s32 @!p0 $0xF;
	[sflag:s19] =	ssyncadd.s32 $0xFFFFE000;
	s0 =	sadd.s32 s6, s3  }
0x75: {  	[hbm4b:s0+s17] =	stream.strided.scatter [tilespmem:s10], [sflag:$0xA], $0x2000, s8, s17, $0x38;
	[tilespmem:$0x16400] =	vst v63  }
0x76: {  	_ =	swait.ge @!p0 [sflag:s11], $0x2000  }
0x77: {  	[sflag:s11] =	ssyncset.done @!p0 $0x0  }
0x78: {  	[sflag:s11] =	ssyncadd.s32 @!p0 $0xFFFFE000;
	s11 =	sadd.s32 $0x300, s1  }
0x79: {  	[tilespmem:s20], [sflag:$0x7] =	stream.indirect.gather [hbm4b:s4+s8], $0x40, s11, s8, $0xb8;
	[tilespmem:$0x16400] =	vst v63  }
0x7a: {  	_ =	swait.ge [sflag:s21], $0x2000  }
0x7b: {  	s13 =	rddreg [dreg:$0x6];
	[sflag:s21] =	ssyncset.done $0x0  }
0x7c: {  	s11 =	simm.s32 @!p0 $0x10;
	[sflag:s21] =	ssyncadd.s32 $0xFFFFE000;
	s0 =	sadd.s32 s6, s13  }
0x7d: {  	[hbm4b:s0+s17] =	stream.strided.scatter [tilespmem:s12], [sflag:$0xB], $0x2000, s8, s17, $0x38;
	[tilespmem:$0x16400] =	vst v63  }
0x7e: {  	_ =	swait.ge @!p0 [sflag:s11], $0x2000  }
0x7f: {  	[sflag:s11] =	ssyncset.done @!p0 $0x0  }
0x80: {  	s1 =	sadd.s32 $0x380, s1;
	[sflag:s11] =	ssyncadd.s32 @!p0 $0xFFFFE000  }
0x81: {  	[tilespmem:s22], [sflag:$0x8] =	stream.indirect.gather [hbm4b:s4+s8], $0x40, s1, s8, $0xb8;
	[tilespmem:$0x16400] =	vst v63  }
0x82: {  	p2 =	seq.s32 s29, $0x0;
	_ =	swait.ge [sflag:s23], $0x2000  }
0x83: {  	p0 =	por p2, p2;
	s3 =	rddreg [dreg:$0x5];
	[sflag:s23] =	ssyncset.done $0x0  }
0x84: {  	p2 =	seq.s32 s7, $0x18000;
	[sflag:s23] =	ssyncadd.s32 $0xFFFFE000;
	s0 =	sadd.s32 s6, s3  }
0x85: {  	[hbm4b:s0+s17] =	stream.strided.scatter [tilespmem:s14], [sflag:$0xC], $0x2000, s8, s17, $0x38;
	[tilespmem:$0x16400] =	vst v63  }
0x86: {  	s0 =	simm.s32 @!p2 $0x9  }
0x87: {  	s31 =	smov.u32 s29;
	s1 =	sshra.s32 @!p2 s7, $0x2;
	_ =	swait.ge @!p2 [sflag:s0], $0x2000  }
0x88: {  	s7 =	smov.u32 s31;
	s31 =	simm.s32 @!p2 $0x80;
	[sflag:s0] =	ssyncset.done @!p2 $0x0  }
0x89: {  	s11 =	sadd.s32 @!p2 $0x400, s1;
	s3 =	simm.s32 @!p2 $0x6400;
	[sflag:s0] =	ssyncadd.s32 @!p2 $0xFFFFE000  }
0x8a: {  	[tilespmem:s3], [sflag:$0x1] =	stream.indirect.gather @!p2 [hbm4b:s4+s31], $0x40, s11, s31, $0xb8;
	[tilespmem:$0x16400] =	vst v63  }
0x8b: {  	_ =	swait.ge [sflag:s24], $0x2000  }
0x8c: {  	s11 =	rddreg [dreg:$0xb];
	[sflag:s24] =	ssyncset.done $0x0  }
0x8d: {  	[sflag:s24] =	ssyncadd.s32 $0xFFFFE000;
	s3 =	sadd.s32 s6, s11;
	s11 =	simm.s32 @!p2 $0xA  }
0x8e: {  	[hbm4b:s3+s17] =	stream.strided.scatter [tilespmem:s15], [sflag:$0xD], $0x2000, s8, s17, $0x38;
	[tilespmem:$0x16400] =	vst v63  }
0x8f: {  	_ =	swait.ge @!p2 [sflag:s11], $0x2000  }
0x90: {  	[sflag:s11] =	ssyncset.done @!p2 $0x0  }
0x91: {  	s13 =	sadd.s32 @!p2 $0x480, s1;
	s3 =	simm.s32 @!p2 $0x8400;
	[sflag:s11] =	ssyncadd.s32 @!p2 $0xFFFFE000  }
0x92: {  	[tilespmem:s3], [sflag:$0x2] =	stream.indirect.gather @!p2 [hbm4b:s4+s31], $0x40, s13, s31, $0xb8;
	[tilespmem:$0x16400] =	vst v63  }
0x93: {  	_ =	swait.ge [sflag:s25], $0x2000  }
0x94: {  	s11 =	rddreg [dreg:$0xa];
	[sflag:s25] =	ssyncset.done $0x0  }
0x95: {  	[sflag:s25] =	ssyncadd.s32 $0xFFFFE000;
	s3 =	sadd.s32 s6, s11;
	s11 =	simm.s32 @!p2 $0xB  }
0x96: {  	[hbm4b:s3+s17] =	stream.strided.scatter [tilespmem:s18], [sflag:$0xE], $0x2000, s8, s17, $0x38;
	[tilespmem:$0x16400] =	vst v63  }
0x97: {  	_ =	swait.ge @!p2 [sflag:s11], $0x2000  }
0x98: {  	[sflag:s11] =	ssyncset.done @!p2 $0x0  }
0x99: {  	s0 =	sadd.s32 @!p2 $0x500, s1;
	s3 =	simm.s32 @!p2 $0xA400;
	[sflag:s11] =	ssyncadd.s32 @!p2 $0xFFFFE000  }
0x9a: {  	[tilespmem:s3], [sflag:$0x3] =	stream.indirect.gather @!p2 [hbm4b:s4+s31], $0x40, s0, s31, $0xb8;
	[tilespmem:$0x16400] =	vst v63  }
0x9b: {  	_ =	swait.ge [sflag:s26], $0x2000  }
0x9c: {  	s13 =	rddreg [dreg:$0x9];
	[sflag:s26] =	ssyncset.done $0x0  }
0x9d: {  	s3 =	simm.s32 @!p2 $0xC;
	[sflag:s26] =	ssyncadd.s32 $0xFFFFE000;
	s0 =	sadd.s32 s6, s13  }
0x9e: {  	[hbm4b:s0+s17] =	stream.strided.scatter [tilespmem:s20], [sflag:$0xF], $0x2000, s8, s17, $0x38;
	[tilespmem:$0x16400] =	vst v63  }
0x9f: {  	s29 =	sadd.s32 $0x1000, s29;
	_ =	swait.ge @!p2 [sflag:s3], $0x2000  }
0xa0: {  	p1 =	sne.s32 s29, $0x19000;
	s1 =	sadd.s32 @!p2 $0x580, s1;
	[sflag:s3] =	ssyncset.done @!p2 $0x0  }
.Ltmp0:
0xa1: {  	s0 =	simm.s32 @!p2 $0xC400;
	[sflag:s3] =	ssyncadd.s32 @!p2 $0xFFFFE000;
	(pc) =	sbr.rel @p1 .LBB2_2-.Ltmp0, $4  }
0xa2: {  	[tilespmem:s0], [sflag:$0x4] =	stream.indirect.gather @!p2 [hbm4b:s4+s31], $0x40, s1, s31, $0xb8;
	[tilespmem:$0x16400] =	vst v63  }
0xa3: {  	_ =	swait.ge [sflag:s28], $0x2000  }
0xa4: {  	s2 =	smov.u32 s6;
	s6 =	sadd.s32 $0x4000, s6;
	[sflag:s28] =	ssyncset.done $0x0  }
0xa5: {  	s0 =	simm.s32 @!p0 $0xD;
	s1 =	rddreg [dreg:$0x8];
	[sflag:s28] =	ssyncadd.s32 $0xFFFFE000  }
0xa6: {  	s1 =	sadd.s32 s2, s1  }
0xa7: {  	[hbm4b:s1+s17] =	stream.strided.scatter [tilespmem:s22], [sflag:$0x10], $0x2000, s8, s17, $0x38;
	[tilespmem:$0x16400] =	vst v63  }
0xa8: {  	_ =	swait.ge @!p0 [sflag:s0], $0x2000  }
0xa9: {  	s1 =	sshra.s32 s7, $0x2;
	[sflag:s0] =	ssyncset.done @!p0 $0x0  }
0xaa: {  	s2 =	sadd.s32 $0x200, s1;
	[sflag:s0] =	ssyncadd.s32 @!p0 $0xFFFFE000  }
0xab: {  	[tilespmem:s15], [sflag:$0x5] =	stream.indirect.gather [hbm4b:s4+s8], $0x40, s2, s8, $0xb8;
	[tilespmem:$0x16400] =	vst v63  }
0xac: {  	_ =	swait.ge [sflag:s16], $0x2000  }
0xad: {  	s3 =	rddreg [dreg:$0x4];
	[sflag:s16] =	ssyncset.done $0x0  }
0xae: {  	s2 =	simm.s32 @!p0 $0xE;
	[sflag:s16] =	ssyncadd.s32 $0xFFFFE000;
	s0 =	sadd.s32 s6, s3  }
0xaf: {  	[hbm4b:s0+s17] =	stream.strided.scatter [tilespmem:s9], [sflag:$0x9], $0x2000, s8, s17, $0x38;
	[tilespmem:$0x16400] =	vst v63  }
0xb0: {  	_ =	swait.ge @!p0 [sflag:s2], $0x2000  }
0xb1: {  	[sflag:s2] =	ssyncset.done @!p0 $0x0  }
0xb2: {  	s11 =	sadd.s32 $0x280, s1;
	[sflag:s2] =	ssyncadd.s32 @!p0 $0xFFFFE000  }
0xb3: {  	[tilespmem:s18], [sflag:$0x6] =	stream.indirect.gather [hbm4b:s4+s8], $0x40, s11, s8, $0xb8;
	[tilespmem:$0x16400] =	vst v63  }
0xb4: {  	_ =	swait.ge [sflag:s19], $0x2000  }
0xb5: {  	s13 =	rddreg [dreg:$0x7];
	[sflag:s19] =	ssyncset.done $0x0  }
0xb6: {  	s2 =	simm.s32 @!p0 $0xF;
	[sflag:s19] =	ssyncadd.s32 $0xFFFFE000;
	s0 =	sadd.s32 s6, s13  }
0xb7: {  	[hbm4b:s0+s17] =	stream.strided.scatter [tilespmem:s10], [sflag:$0xA], $0x2000, s8, s17, $0x38;
	[tilespmem:$0x16400] =	vst v63  }
0xb8: {  	_ =	swait.ge @!p0 [sflag:s2], $0x2000  }
0xb9: {  	[sflag:s2] =	ssyncset.done @!p0 $0x0  }
0xba: {  	s29 =	sadd.s32 $0x300, s1;
	[sflag:s2] =	ssyncadd.s32 @!p0 $0xFFFFE000  }
0xbb: {  	[tilespmem:s20], [sflag:$0x7] =	stream.indirect.gather [hbm4b:s4+s8], $0x40, s29, s8, $0xb8;
	[tilespmem:$0x16400] =	vst v63  }
0xbc: {  	_ =	swait.ge [sflag:s21], $0x2000  }
0xbd: {  	s31 =	rddreg [dreg:$0x6];
	[sflag:s21] =	ssyncset.done $0x0  }
0xbe: {  	s2 =	simm.s32 @!p0 $0x10;
	[sflag:s21] =	ssyncadd.s32 $0xFFFFE000;
	s0 =	sadd.s32 s6, s31  }
0xbf: {  	[hbm4b:s0+s17] =	stream.strided.scatter [tilespmem:s12], [sflag:$0xB], $0x2000, s8, s17, $0x38;
	[tilespmem:$0x16400] =	vst v63  }
0xc0: {  	_ =	swait.ge @!p0 [sflag:s2], $0x2000  }
0xc1: {  	[sflag:s2] =	ssyncset.done @!p0 $0x0  }
0xc2: {  	[sflag:s2] =	ssyncadd.s32 @!p0 $0xFFFFE000;
	s2 =	sadd.s32 $0x380, s1  }
0xc3: {  	[tilespmem:s22], [sflag:$0x8] =	stream.indirect.gather [hbm4b:s4+s8], $0x40, s2, s8, $0xb8;
	[tilespmem:$0x16400] =	vst v63  }
0xc4: {  	_ =	swait.ge [sflag:s23], $0x2000  }
0xc5: {  	s3 =	rddreg [dreg:$0x5];
	[sflag:s23] =	ssyncset.done $0x0  }
0xc6: {  	p0 =	seq.s32 s7, $0x18000;
	[sflag:s23] =	ssyncadd.s32 $0xFFFFE000;
	s0 =	sadd.s32 s6, s3  }
0xc7: {  	[hbm4b:s0+s17] =	stream.strided.scatter [tilespmem:s14], [sflag:$0xC], $0x2000, s8, s17, $0x38;
	[tilespmem:$0x16400] =	vst v63  }
0xc8: {  	s0 =	simm.s32 @!p0 $0x9  }
0xc9: {  	s1 =	sshra.s32 @!p0 s7, $0x2;
	_ =	swait.ge @!p0 [sflag:s0], $0x2000  }
0xca: {  	s2 =	sadd.s32 @!p0 $0x400, s1;
	[sflag:s0] =	ssyncset.done @!p0 $0x0  }
0xcb: {  	s3 =	simm.s32 @!p0 $0x80;
	[sflag:s0] =	ssyncadd.s32 @!p0 $0xFFFFE000;
	s0 =	simm.s32 @!p0 $0x6400  }
0xcc: {  	[tilespmem:s0], [sflag:$0x1] =	stream.indirect.gather @!p0 [hbm4b:s4+s3], $0x40, s2, s3, $0xb8;
	[tilespmem:$0x16400] =	vst v63  }
0xcd: {  	_ =	swait.ge [sflag:s24], $0x2000  }
0xce: {  	s11 =	rddreg [dreg:$0xb];
	[sflag:s24] =	ssyncset.done $0x0  }
0xcf: {  	s2 =	simm.s32 @!p0 $0xA;
	[sflag:s24] =	ssyncadd.s32 $0xFFFFE000;
	s0 =	sadd.s32 s6, s11  }
0xd0: {  	[hbm4b:s0+s17] =	stream.strided.scatter [tilespmem:s15], [sflag:$0xD], $0x2000, s8, s17, $0x38;
	[tilespmem:$0x16400] =	vst v63  }
0xd1: {  	_ =	swait.ge @!p0 [sflag:s2], $0x2000  }
0xd2: {  	[sflag:s2] =	ssyncset.done @!p0 $0x0  }
0xd3: {  	s0 =	sadd.s32 @!p0 $0x480, s1;
	[sflag:s2] =	ssyncadd.s32 @!p0 $0xFFFFE000;
	s2 =	simm.s32 @!p0 $0x8400  }
0xd4: {  	[tilespmem:s2], [sflag:$0x2] =	stream.indirect.gather @!p0 [hbm4b:s4+s3], $0x40, s0, s3, $0xb8;
	[tilespmem:$0x16400] =	vst v63  }
0xd5: {  	_ =	swait.ge [sflag:s25], $0x2000  }
0xd6: {  	s13 =	rddreg [dreg:$0xa];
	[sflag:s25] =	ssyncset.done $0x0  }
0xd7: {  	s2 =	simm.s32 @!p0 $0xB;
	[sflag:s25] =	ssyncadd.s32 $0xFFFFE000;
	s0 =	sadd.s32 s6, s13  }
0xd8: {  	[hbm4b:s0+s17] =	stream.strided.scatter [tilespmem:s18], [sflag:$0xE], $0x2000, s8, s17, $0x38;
	[tilespmem:$0x16400] =	vst v63  }
0xd9: {  	_ =	swait.ge @!p0 [sflag:s2], $0x2000  }
0xda: {  	[sflag:s2] =	ssyncset.done @!p0 $0x0  }
0xdb: {  	s0 =	sadd.s32 @!p0 $0x500, s1;
	[sflag:s2] =	ssyncadd.s32 @!p0 $0xFFFFE000;
	s2 =	simm.s32 @!p0 $0xA400  }
0xdc: {  	[tilespmem:s2], [sflag:$0x3] =	stream.indirect.gather @!p0 [hbm4b:s4+s3], $0x40, s0, s3, $0xb8;
	[tilespmem:$0x16400] =	vst v63  }
0xdd: {  	_ =	swait.ge [sflag:s26], $0x2000  }
0xde: {  	s29 =	rddreg [dreg:$0x9];
	[sflag:s26] =	ssyncset.done $0x0  }
0xdf: {  	[sflag:s26] =	ssyncadd.s32 $0xFFFFE000;
	s0 =	sadd.s32 s6, s29  }
0xe0: {  	[hbm4b:s0+s17] =	stream.strided.scatter [tilespmem:s20], [sflag:$0xF], $0x2000, s8, s17, $0x38;
	[tilespmem:$0x16400] =	vst v63  }
0xe1: {  	s0 =	simm.s32 @!p0 $0xC  }
0xe2: {  	_ =	swait.ge @!p0 [sflag:s0], $0x2000  }
0xe3: {  	[sflag:s0] =	ssyncset.done @!p0 $0x0  }
0xe4: {  	s1 =	sadd.s32 @!p0 $0x580, s1;
	[sflag:s0] =	ssyncadd.s32 @!p0 $0xFFFFE000;
	s0 =	simm.s32 @!p0 $0xC400  }
0xe5: {  	[tilespmem:s0], [sflag:$0x4] =	stream.indirect.gather @!p0 [hbm4b:s4+s3], $0x40, s1, s3, $0xb8;
	[tilespmem:$0x16400] =	vst v63  }
0xe6: {  	_ =	swait.ge [sflag:s28], $0x2000  }
0xe7: {  	s31 =	rddreg [dreg:$0x8];
	[sflag:s28] =	ssyncset.done $0x0  }
0xe8: {  	s1 =	simm.s32 $0x9;
	s0 =	sadd.s32 s6, s31;
	[sflag:s28] =	ssyncadd.s32 $0xFFFFE000  }
0xe9: {  	[hbm4b:s0+s17] =	stream.strided.scatter [tilespmem:s22], [sflag:$0x10], $0x2000, s8, s17, $0x38;
	[tilespmem:$0x16400] =	vst v63  }
0xea: {  	_ =	swait.ge [sflag:s1], $0x2000  }
0xeb: {  	[sflag:s1] =	ssyncset.done $0x0  }
0xec: {  	s2 =	simm.s32 $0xA;
	[sflag:s1] =	ssyncadd.s32 $0xFFFFE000  }
0xed: {  	_ =	swait.ge [sflag:s2], $0x2000  }
0xee: {  	[sflag:s2] =	ssyncset.done $0x0  }
0xef: {  	s3 =	simm.s32 $0xB;
	[sflag:s2] =	ssyncadd.s32 $0xFFFFE000  }
0xf0: {  	_ =	swait.ge [sflag:s3], $0x2000  }
0xf1: {  	[sflag:s3] =	ssyncset.done $0x0  }
0xf2: {  	s6 =	simm.s32 $0xC;
	[sflag:s3] =	ssyncadd.s32 $0xFFFFE000  }
0xf3: {  	_ =	swait.ge [sflag:s6], $0x2000  }
0xf4: {  	[sflag:s6] =	ssyncset.done $0x0  }
0xf5: {  	s7 =	simm.s32 $0xD;
	[sflag:s6] =	ssyncadd.s32 $0xFFFFE000  }
0xf6: {  	_ =	swait.ge [sflag:s7], $0x2000  }
0xf7: {  	[sflag:s7] =	ssyncset.done $0x0  }
0xf8: {  	s11 =	simm.s32 $0xE;
	[sflag:s7] =	ssyncadd.s32 $0xFFFFE000  }
0xf9: {  	_ =	swait.ge [sflag:s11], $0x2000  }
0xfa: {  	[sflag:s11] =	ssyncset.done $0x0  }
0xfb: {  	s13 =	simm.s32 $0xF;
	[sflag:s11] =	ssyncadd.s32 $0xFFFFE000  }
0xfc: {  	_ =	swait.ge [sflag:s13], $0x2000  }
0xfd: {  	[sflag:s13] =	ssyncset.done $0x0  }
0xfe: {  	s29 =	simm.s32 $0x10;
	[sflag:s13] =	ssyncadd.s32 $0xFFFFE000  }
0xff: {  	_ =	swait.ge [sflag:s29], $0x2000  }
0x100: {  	s5 =	sadd.s32 $0x1, s5;
	s31 =	rddreg [dreg:$0xd]  }
0x101: {  	p0 =	sne.s32 s5, s31  }
.Ltmp1:
0x102: {  	_ = 	snop;
	(pc) =	sbr.rel @p0 .LBB2_1-.Ltmp1, $3  }
0x103: {  	_ =	sdelay $0x1  }
0x104: {  	[sflag:s29] =	ssyncset.done $0x0  }
0x105: {  	[sflag:s29] =	ssyncadd.s32 $0xFFFFE000  }
0x106: {  	_ =	sfence.sel $0x180000  }
0x107: {  	[bflag:$0x0] =	sbarrier.arrive $0xFFFF  }
0x108: {  	_ =	strace $0x90000047  }
0x109: {  	s0 =	stileid.u32;
	[bflag:$0x2] =	sbarrier.arrive $0xFFFF  }
0x10a: {  	p0 =	sne.s32 s0, $0x0;
	s0 =	rddreg [dreg:$0x3]  }
0x10b: {  	s0 =	sadd.s32 @!p0 $0x100000, s0  }
0x10c: {  	[sflag:s0] =	ssyncadd.tile.s32 @!p0 $0x1;
	_ =	shalt  }
.Lfunc_end2:
_tile_overlayer_lowered:
.L_overlay_start_2:
0x10d: {  	(tag) =	ssettag $0x2  }
0x10e: {  	s0 =	rddreg [dreg:$0x0];
	s2 =	stileid.u32  }
0x10f: {  	s1 =	rddreg [dreg:$0x1];
	p0 =	sne.s32 s2, $0x0  }
0x110: {  	s3 =	rddreg [dreg:$0x2];
	[bflag:$0x3] =	sbarrier.arrive $0xFFFF;
	s2 =	simm.s32 @!p0 $0x1C11  }
0x111: {  	[timem:s3], [sflag:s2] =	dma.local @!p0 [hbm:s0], s1  }
0x112: {  	s0 =	simm.s32 @!p0 $0x11  }
0x113: {  	_ =	swait.ge @!p0 [sflag:s0], s1  }
0x114: {  	s1 =	ssub.s32 @!p0 $0x0, s1;
	[sflag:s0] =	ssyncset.done @!p0 $0x0  }
0x115: {  	[sflag:s0] =	ssyncadd.s32 @!p0 s1  }
0x116: {  	[bflag:$0x3] =	sbarrier.arrive $0xFFFF  }
0x117: {  	_ =	shalt  }

</sc_bundles>
